<compile_context>
chip_gen: v7x
topology: tpu7x:2x2x1
jax: 0.10.2.dev20260603
libtpu: 0.0.44.dev20260713+nightly
codegen_flags: <defaults>
</compile_context>

<pallas_src>
import functools

import jax
import jax.numpy as jnp
from jax import lax
from jax.experimental import pallas as pl
from jax.experimental.pallas import tpu as pltpu
from jax.experimental.pallas import tpu_sc as plsc

GAMMA = 12.0
EMB_INIT = 0.109375
PI_REF = 3.1415926235897933
SCALE = PI_REF / EMB_INIT

N_NODES = 10000
N_EDGES = 320000
D = 128
EDGE_BLK = 8192
N_EDGES_PAD = 327680
N_BLK = N_EDGES_PAD // EDGE_BLK
LAST_REL_BLK = (N_EDGES - 1) // EDGE_BLK

NC = 2
NS = 16
NW = NC * NS
G = 128
N_PAD = 2 * N_EDGES_PAD

P = 4
BLK_P = N_BLK // P
ROWS_P = N_PAD // P
ROWS_PER_W = ROWS_P // NW
CHUNKS_PER_W = ROWS_PER_W // G

_INV_PI = 0.3183098861837907
_PI_HI = 3.140625
_PI_LO = 9.67653589793e-04
_SA = 0.9999389601350983
_SB = -0.16614390484274005
_SC = 0.007689812487933795


def _gather_body(part, table_hbm, idx_hbm, out_hbm, table_sp, idx0, idx1,
                 rows0, rows1, si0, si1, sg0, sg1, sw0, sw1):
    sid = lax.axis_index("s")
    wid = sid * NC + lax.axis_index("c")
    base = wid * ROWS_PER_W
    idx_base = part * ROWS_P + base

    @pl.when(sid == 0)
    def _():
        pltpu.sync_copy(table_hbm, table_sp)

    plsc.subcore_barrier()

    ibufs = (idx0, idx1)
    bufs = (rows0, rows1)
    isems = (si0, si1)
    gsems = (sg0, sg1)
    wsems = (sw0, sw1)

    def start_idx(j, k):
        pltpu.async_copy(
            idx_hbm.at[pl.ds(idx_base + j * G, G)], ibufs[k], isems[k]
        )

    def wait_idx(k):
        pltpu.make_async_copy(
            idx_hbm.at[pl.ds(0, G)], ibufs[k], isems[k]
        ).wait()

    def start_gather(j, k):
        pltpu.async_copy(table_sp.at[ibufs[k]], bufs[k], gsems[k])

    def wait_gather(k):
        pltpu.make_async_copy(
            out_hbm.at[pl.ds(0, G)], bufs[k], gsems[k]
        ).wait()

    def start_write(j, k):
        pltpu.async_copy(bufs[k], out_hbm.at[pl.ds(base + j * G, G)], wsems[k])

    def wait_write(k):
        pltpu.make_async_copy(
            bufs[k], out_hbm.at[pl.ds(0, G)], wsems[k]
        ).wait()

    start_idx(0, 0)
    start_idx(1, 1)
    wait_idx(0)
    start_gather(0, 0)

    def step2(i, carry):
        for k in (0, 1):
            j = i * 2 + k
            k2 = 1 - k
            wait_gather(k)
            start_write(j, k)

            @pl.when(j < CHUNKS_PER_W - 2)
            def _():
                start_idx(j + 2, k)

            @pl.when(j < CHUNKS_PER_W - 1)
            def _():
                wait_idx(k2)
                @pl.when(j >= 1)
                def _():
                    wait_write(k2)

                start_gather(j + 1, k2)

        return carry

    lax.fori_loop(0, CHUNKS_PER_W // 2, step2, 0)
    wait_write(0)
    wait_write(1)


def _make_sc_gather(part):
    @functools.partial(
        pl.kernel,
        mesh=plsc.VectorSubcoreMesh(core_axis_name="c", subcore_axis_name="s"),
        out_type=jax.ShapeDtypeStruct((ROWS_P, D), jnp.float32),
        scratch_types=[
            pltpu.VMEM_SHARED((N_NODES, D), jnp.float32),
            pltpu.VMEM((G,), jnp.int32),
            pltpu.VMEM((G,), jnp.int32),
            pltpu.VMEM((G, D), jnp.float32),
            pltpu.VMEM((G, D), jnp.float32),
            pltpu.SemaphoreType.DMA,
            pltpu.SemaphoreType.DMA,
            pltpu.SemaphoreType.DMA,
            pltpu.SemaphoreType.DMA,
            pltpu.SemaphoreType.DMA,
            pltpu.SemaphoreType.DMA,
        ],
    )
    def _sc_gather(table_hbm, idx_hbm, out_hbm, *rest):
        _gather_body(part, table_hbm, idx_hbm, out_hbm, *rest)

    return _sc_gather


_SC_GATHERS = [_make_sc_gather(p) for p in range(P)]


def _score_body(gath_ref, rel_ref, mod_ref, out_ref):
    src = gath_ref[0:EDGE_BLK, :]
    dst = gath_ref[EDGE_BLK : 2 * EDGE_BLK, :]
    x = (src + rel_ref[...] - dst) * SCALE
    n = jnp.round(x * _INV_PI)
    z = (x - n * _PI_HI) - n * _PI_LO
    z2 = z * z
    p = (_SC * z2 + _SB) * z2 + _SA
    abs_sin = jnp.abs(z) * p
    s = GAMMA - jnp.sum(abs_sin, axis=-1)
    out_ref[...] = s * mod_ref[0, 0]


def _score_part(part, gathered, rel_emb, modulus):
    rel_map = functools.partial(
        lambda p, i: (jnp.minimum(p * BLK_P + i, LAST_REL_BLK), 0), part
    )
    grid_spec = pl.GridSpec(
        grid=(BLK_P,),
        in_specs=[
            pl.BlockSpec((2 * EDGE_BLK, D), lambda i: (i, 0)),
            pl.BlockSpec((EDGE_BLK, D), rel_map),
            pl.BlockSpec(memory_space=pltpu.SMEM),
        ],
        out_specs=pl.BlockSpec((EDGE_BLK,), lambda i: (i,)),
    )
    return pl.pallas_call(
        _score_body,
        grid_spec=grid_spec,
        out_shape=jax.ShapeDtypeStruct((BLK_P * EDGE_BLK,), jnp.float32),
    )(gathered, rel_emb, modulus)


def kernel(node_emb, rel_emb, edge_index, modulus):
    pad = jnp.zeros((N_EDGES_PAD - N_EDGES,), jnp.int32)
    src_idx = jnp.concatenate([edge_index[0], pad]).reshape(N_BLK, EDGE_BLK)
    dst_idx = jnp.concatenate([edge_index[1], pad]).reshape(N_BLK, EDGE_BLK)
    idx_pad = jnp.stack([src_idx, dst_idx], axis=1).reshape(N_PAD)

    outs = []
    for p in range(P):
        gathered = _SC_GATHERS[p](node_emb, idx_pad)
        outs.append(_score_part(p, gathered, rel_emb, modulus))
    return jnp.concatenate(outs)[:N_EDGES]

# --- scband reference (transcript-rebuilt; emitter-appended) ---
"""Pipeline reference for scband-p-rotat-escore-76124000354701 (READ-ONLY COPY).

The authoritative reference and input builder live on the scoring server;
editing this copy changes nothing except your own understanding.
"""

import jax, jax.numpy as jnp
import numpy as np

GAMMA = 12.0
EMB_INIT = 0.109375
N_NODES = 10000
N_EDGES = 320000
D_FEAT = 128


def setup_inputs(seed: int = 0) -> dict:
    key = jax.random.key(seed)
    k1, k2, k3 = jax.random.split(key, 3)
    node_emb = jax.random.normal(k1, (N_NODES, D_FEAT), dtype=jnp.float32) * EMB_INIT
    rel_emb = jax.random.normal(k2, (N_EDGES, D_FEAT), dtype=jnp.float32) * EMB_INIT
    edge_index = jax.random.randint(k3, (2, N_EDGES), 0, N_NODES, dtype=jnp.int32)
    # learned parameter: modulus = 0.5 * emb_init (used via .item() in torch -> detached scalar)
    modulus = jnp.full((1, 1), 0.5 * EMB_INIT, dtype=jnp.float32)
    return {"node_emb": node_emb, "rel_emb": rel_emb, "edge_index": edge_index, "modulus": modulus}


def reference(node_emb, rel_emb, edge_index, modulus):
    pi = 3.1415926235897933
    # gather src/dst node embeddings per edge (DGL apply_edges equivalent)
    src_emb = jnp.take(node_emb, edge_index[0], axis=0)
    dst_emb = jnp.take(node_emb, edge_index[1], axis=0)
    phase_head = src_emb / (EMB_INIT / pi)
    phase_tail = dst_emb / (EMB_INIT / pi)
    phase_rel = rel_emb / (EMB_INIT / pi)
    score = phase_head + phase_rel - phase_tail
    score = jnp.abs(jnp.sin(score))
    score = GAMMA - jnp.sum(score, axis=-1)
    score = score * modulus[0, 0]
    return score

if __name__ == "__main__":
    import jax
    _d = setup_inputs()
    print(jax.jit(kernel)(*tuple(_d.values())))

</pallas_src>

<mosaic_0001>
#map = affine_map<(d0, d1) -> (0, 0)>
#map1 = affine_map<(d0, d1) -> (0)>
module attributes {stable_mosaic.version = 14 : i64} {
  func.func @_sc_gather(%arg0: i32, %arg1: i32, %arg2: memref<10000x128xf32, #tpu.memory_space<hbm>>, %arg3: memref<655360xi32, #tpu.memory_space<hbm>>, %arg4: memref<163840x128xf32, #tpu.memory_space<hbm>>, %arg5: memref<10000x128xf32, #tpu.memory_space<vmem_shared>>, %arg6: memref<128xi32, #tpu.memory_space<vmem>>, %arg7: memref<128xi32, #tpu.memory_space<vmem>>, %arg8: memref<128x128xf32, #tpu.memory_space<vmem>>, %arg9: memref<128x128xf32, #tpu.memory_space<vmem>>, %arg10: memref<!tpu.dma_semaphore, #tpu.memory_space<semaphore_mem>>, %arg11: memref<!tpu.dma_semaphore, #tpu.memory_space<semaphore_mem>>, %arg12: memref<!tpu.dma_semaphore, #tpu.memory_space<semaphore_mem>>, %arg13: memref<!tpu.dma_semaphore, #tpu.memory_space<semaphore_mem>>, %arg14: memref<!tpu.dma_semaphore, #tpu.memory_space<semaphore_mem>>, %arg15: memref<!tpu.dma_semaphore, #tpu.memory_space<semaphore_mem>>) attributes {dimension_semantics = [#tpu.dimension_semantics<core_parallel>, #tpu.dimension_semantics<subcore_parallel>], iteration_bounds = array<i64: 2, 16>, scalar_prefetch = 0 : i64, scratch_operands = 11 : i64, tpu.core_type = #tpu.core_type<sc_vector_subcore>, window_params = [{transform_indices = #map}, {transform_indices = #map1}, {transform_indices = #map}]} {
    %mul3A = arith.constant 2 : i32
    %mul3A_0 = arith.muli %arg1, %mul3A : i32
    %add3A = arith.addi %mul3A_0, %arg0 : i32
    %mul3A_1 = arith.constant 5120 : i32
    %mul3A_2 = arith.muli %add3A, %mul3A_1 : i32
    %add3A_3 = arith.constant 491520 : i32
    %add3A_4 = arith.addi %add3A_3, %mul3A_2 : i32
    %eq3A = arith.constant 0 : i32
    %eq3A_5 = arith.cmpi eq, %arg1, %eq3A : i32
    %convert_element_type3A = arith.extui %eq3A_5 : i1 to i32
    %cond3A = arith.constant 0 : i32
    %cond3A_6 = arith.cmpi ne, %convert_element_type3A, %cond3A : i32
    scf.if %cond3A_6 {
      "tpu.region"() ({
        %run_scoped3A = tpu.sem_alloc : memref<!tpu.dma_semaphore, #tpu.memory_space<semaphore_mem>>
        tpu.enqueue_dma source(%arg2 : memref<10000x128xf32, #tpu.memory_space<hbm>>) target(%arg5 : memref<10000x128xf32, #tpu.memory_space<vmem_shared>>) target_semaphore(%run_scoped3A : memref<!tpu.dma_semaphore, #tpu.memory_space<semaphore_mem>>)
        tpu.wait_dma2 semaphore(%run_scoped3A : memref<!tpu.dma_semaphore, #tpu.memory_space<semaphore_mem>>) src(%arg2 : memref<10000x128xf32, #tpu.memory_space<hbm>>) dst(%arg5 : memref<10000x128xf32, #tpu.memory_space<vmem_shared>>)
        tpu.yield
      }) : () -> ()
    } else {
    }
    %barrier3A = arith.constant 0 : index
    tpu.barrier barrier_id(%barrier3A)
    %add3A_7 = arith.constant 0 : i32
    %add3A_8 = arith.addi %add3A_4, %add3A_7 : i32
    %dma_start3A = tpu.memref_slice %arg3[%add3A_8] : memref<655360xi32, #tpu.memory_space<hbm>> -> memref<128xi32, #tpu.memory_space<hbm>>
    %dma_start3A_9 = tpu.memref_slice %arg3[%add3A_8] : memref<655360xi32, #tpu.memory_space<hbm>> -> memref<128xi32, #tpu.memory_space<hbm>>
    tpu.enqueue_dma source(%dma_start3A_9 : memref<128xi32, #tpu.memory_space<hbm>>) target(%arg6 : memref<128xi32, #tpu.memory_space<vmem>>) target_semaphore(%arg10 : memref<!tpu.dma_semaphore, #tpu.memory_space<semaphore_mem>>)
    %add3A_10 = arith.constant 128 : i32
    %add3A_11 = arith.addi %add3A_4, %add3A_10 : i32
    %dma_start3A_12 = tpu.memref_slice %arg3[%add3A_11] : memref<655360xi32, #tpu.memory_space<hbm>> -> memref<128xi32, #tpu.memory_space<hbm>>
    %dma_start3A_13 = tpu.memref_slice %arg3[%add3A_11] : memref<655360xi32, #tpu.memory_space<hbm>> -> memref<128xi32, #tpu.memory_space<hbm>>
    tpu.enqueue_dma source(%dma_start3A_13 : memref<128xi32, #tpu.memory_space<hbm>>) target(%arg7 : memref<128xi32, #tpu.memory_space<vmem>>) target_semaphore(%arg11 : memref<!tpu.dma_semaphore, #tpu.memory_space<semaphore_mem>>)
    %dma_wait3A = arith.constant 0 : i32
    %dma_wait3A_14 = tpu.memref_slice %arg3[%dma_wait3A] : memref<655360xi32, #tpu.memory_space<hbm>> -> memref<128xi32, #tpu.memory_space<hbm>>
    %dma_wait3A_15 = arith.constant 0 : i32
    %dma_wait3A_16 = tpu.memref_slice %arg3[%dma_wait3A_15] : memref<655360xi32, #tpu.memory_space<hbm>> -> memref<128xi32, #tpu.memory_space<hbm>>
    tpu.wait_dma2 semaphore(%arg10 : memref<!tpu.dma_semaphore, #tpu.memory_space<semaphore_mem>>) src(%dma_wait3A_16 : memref<128xi32, #tpu.memory_space<hbm>>) dst(%arg6 : memref<128xi32, #tpu.memory_space<vmem>>)
    %dma_start3A_17 = arith.constant 0 : i32
    %dma_start3A_18 = arith.constant 0 : i32
    %dma_start3A_19 = tpu.memref_slice %arg5[%dma_start3A_17, %dma_start3A_18] : memref<10000x128xf32, #tpu.memory_space<vmem_shared>> -> memref<10000x128xf32, #tpu.memory_space<vmem_shared>>
    tpu.enqueue_indirect_dma source(%dma_start3A_19 : memref<10000x128xf32, #tpu.memory_space<vmem_shared>>) target(%arg8 : memref<128x128xf32, #tpu.memory_space<vmem>>) offsets(%arg6 : memref<128xi32, #tpu.memory_space<vmem>>) semaphore(%arg12 : memref<!tpu.dma_semaphore, #tpu.memory_space<semaphore_mem>>)
    %scan3A = arith.constant 0 : i32
    %scan3A_20 = arith.constant 0 : i32
    %scan3A_21 = arith.constant 20 : i32
    %scan3A_22 = arith.addi %scan3A_20, %scan3A_21 : i32
    %scan3A_23 = arith.constant 1 : i32
    scf.for %scan3A_37 = %scan3A_20 to %scan3A_22 step %scan3A_23  : i32 {
      %mul3A_38 = arith.constant 2 : i32
      %mul3A_39 = arith.muli %scan3A_37, %mul3A_38 : i32
      %add3A_40 = arith.constant 0 : i32
      %add3A_41 = arith.addi %mul3A_39, %add3A_40 : i32
      %dma_wait3A_42 = arith.constant 0 : i32
      %dma_wait3A_43 = arith.constant 0 : i32
      %dma_wait3A_44 = tpu.memref_slice %arg4[%dma_wait3A_42, %dma_wait3A_43] : memref<163840x128xf32, #tpu.memory_space<hbm>> -> memref<128x128xf32, #tpu.memory_space<hbm>>
      %dma_wait3A_45 = arith.constant 0 : i32
      %dma_wait3A_46 = arith.constant 0 : i32
      %dma_wait3A_47 = tpu.memref_slice %arg4[%dma_wait3A_45, %dma_wait3A_46] : memref<163840x128xf32, #tpu.memory_space<hbm>> -> memref<128x128xf32, #tpu.memory_space<hbm>>
      tpu.wait_dma2 semaphore(%arg12 : memref<!tpu.dma_semaphore, #tpu.memory_space<semaphore_mem>>) src(%dma_wait3A_47 : memref<128x128xf32, #tpu.memory_space<hbm>>) dst(%arg8 : memref<128x128xf32, #tpu.memory_space<vmem>>)
      %mul3A_48 = arith.constant 128 : i32
      %mul3A_49 = arith.muli %add3A_41, %mul3A_48 : i32
      %add3A_50 = arith.addi %mul3A_2, %mul3A_49 : i32
      %dma_start3A_51 = arith.constant 0 : i32
      %dma_start3A_52 = tpu.memref_slice %arg4[%add3A_50, %dma_start3A_51] : memref<163840x128xf32, #tpu.memory_space<hbm>> -> memref<128x128xf32, #tpu.memory_space<hbm>>
      %dma_start3A_53 = arith.constant 0 : i32
      %dma_start3A_54 = tpu.memref_slice %arg4[%add3A_50, %dma_start3A_53] : memref<163840x128xf32, #tpu.memory_space<hbm>> -> memref<128x128xf32, #tpu.memory_space<hbm>>
      tpu.enqueue_dma source(%arg8 : memref<128x128xf32, #tpu.memory_space<vmem>>) target(%dma_start3A_54 : memref<128x128xf32, #tpu.memory_space<hbm>>) target_semaphore(%arg14 : memref<!tpu.dma_semaphore, #tpu.memory_space<semaphore_mem>>)
      %lt3A = arith.constant 38 : i32
      %lt3A_55 = arith.cmpi slt, %add3A_41, %lt3A : i32
      %convert_element_type3A_56 = arith.extui %lt3A_55 : i1 to i32
      %cond3A_57 = arith.constant 0 : i32
      %cond3A_58 = arith.cmpi ne, %convert_element_type3A_56, %cond3A_57 : i32
      scf.if %cond3A_58 {
        %add3A_91 = arith.constant 2 : i32
        %add3A_92 = arith.addi %add3A_41, %add3A_91 : i32
        %mul3A_93 = arith.constant 128 : i32
        %mul3A_94 = arith.muli %add3A_92, %mul3A_93 : i32
        %add3A_95 = arith.addi %add3A_4, %mul3A_94 : i32
        %dma_start3A_96 = tpu.memref_slice %arg3[%add3A_95] : memref<655360xi32, #tpu.memory_space<hbm>> -> memref<128xi32, #tpu.memory_space<hbm>>
        %dma_start3A_97 = tpu.memref_slice %arg3[%add3A_95] : memref<655360xi32, #tpu.memory_space<hbm>> -> memref<128xi32, #tpu.memory_space<hbm>>
        tpu.enqueue_dma source(%dma_start3A_97 : memref<128xi32, #tpu.memory_space<hbm>>) target(%arg6 : memref<128xi32, #tpu.memory_space<vmem>>) target_semaphore(%arg10 : memref<!tpu.dma_semaphore, #tpu.memory_space<semaphore_mem>>)
      } else {
      }
      %lt3A_59 = arith.constant 39 : i32
      %lt3A_60 = arith.cmpi slt, %add3A_41, %lt3A_59 : i32
      %convert_element_type3A_61 = arith.extui %lt3A_60 : i1 to i32
      %cond3A_62 = arith.constant 0 : i32
      %cond3A_63 = arith.cmpi ne, %convert_element_type3A_61, %cond3A_62 : i32
      scf.if %cond3A_63 {
        %dma_wait3A_91 = arith.constant 0 : i32
        %dma_wait3A_92 = tpu.memref_slice %arg3[%dma_wait3A_91] : memref<655360xi32, #tpu.memory_space<hbm>> -> memref<128xi32, #tpu.memory_space<hbm>>
        %dma_wait3A_93 = arith.constant 0 : i32
        %dma_wait3A_94 = tpu.memref_slice %arg3[%dma_wait3A_93] : memref<655360xi32, #tpu.memory_space<hbm>> -> memref<128xi32, #tpu.memory_space<hbm>>
        tpu.wait_dma2 semaphore(%arg11 : memref<!tpu.dma_semaphore, #tpu.memory_space<semaphore_mem>>) src(%dma_wait3A_94 : memref<128xi32, #tpu.memory_space<hbm>>) dst(%arg7 : memref<128xi32, #tpu.memory_space<vmem>>)
        %ge3A = arith.constant 1 : i32
        %ge3A_95 = arith.cmpi sge, %add3A_41, %ge3A : i32
        %convert_element_type3A_96 = arith.extui %ge3A_95 : i1 to i32
        %cond3A_97 = arith.constant 0 : i32
        %cond3A_98 = arith.cmpi ne, %convert_element_type3A_96, %cond3A_97 : i32
        scf.if %cond3A_98 {
          %dma_wait3A_104 = arith.constant 0 : i32
          %dma_wait3A_105 = arith.constant 0 : i32
          %dma_wait3A_106 = tpu.memref_slice %arg4[%dma_wait3A_104, %dma_wait3A_105] : memref<163840x128xf32, #tpu.memory_space<hbm>> -> memref<128x128xf32, #tpu.memory_space<hbm>>
          %dma_wait3A_107 = arith.constant 0 : i32
          %dma_wait3A_108 = arith.constant 0 : i32
          %dma_wait3A_109 = tpu.memref_slice %arg4[%dma_wait3A_107, %dma_wait3A_108] : memref<163840x128xf32, #tpu.memory_space<hbm>> -> memref<128x128xf32, #tpu.memory_space<hbm>>
          tpu.wait_dma2 semaphore(%arg15 : memref<!tpu.dma_semaphore, #tpu.memory_space<semaphore_mem>>) src(%arg9 : memref<128x128xf32, #tpu.memory_space<vmem>>) dst(%dma_wait3A_109 : memref<128x128xf32, #tpu.memory_space<hbm>>)
        } else {
        }
        %add3A_99 = arith.constant 1 : i32
        %add3A_100 = arith.addi %add3A_41, %add3A_99 : i32
        %dma_start3A_101 = arith.constant 0 : i32
        %dma_start3A_102 = arith.constant 0 : i32
        %dma_start3A_103 = tpu.memref_slice %arg5[%dma_start3A_101, %dma_start3A_102] : memref<10000x128xf32, #tpu.memory_space<vmem_shared>> -> memref<10000x128xf32, #tpu.memory_space<vmem_shared>>
        tpu.enqueue_indirect_dma source(%dma_start3A_103 : memref<10000x128xf32, #tpu.memory_space<vmem_shared>>) target(%arg9 : memref<128x128xf32, #tpu.memory_space<vmem>>) offsets(%arg7 : memref<128xi32, #tpu.memory_space<vmem>>) semaphore(%arg13 : memref<!tpu.dma_semaphore, #tpu.memory_space<semaphore_mem>>)
      } else {
      }
      %mul3A_64 = arith.constant 2 : i32
      %mul3A_65 = arith.muli %scan3A_37, %mul3A_64 : i32
      %add3A_66 = arith.constant 1 : i32
      %add3A_67 = arith.addi %mul3A_65, %add3A_66 : i32
      %dma_wait3A_68 = arith.constant 0 : i32
      %dma_wait3A_69 = arith.constant 0 : i32
      %dma_wait3A_70 = tpu.memref_slice %arg4[%dma_wait3A_68, %dma_wait3A_69] : memref<163840x128xf32, #tpu.memory_space<hbm>> -> memref<128x128xf32, #tpu.memory_space<hbm>>
      %dma_wait3A_71 = arith.constant 0 : i32
      %dma_wait3A_72 = arith.constant 0 : i32
      %dma_wait3A_73 = tpu.memref_slice %arg4[%dma_wait3A_71, %dma_wait3A_72] : memref<163840x128xf32, #tpu.memory_space<hbm>> -> memref<128x128xf32, #tpu.memory_space<hbm>>
      tpu.wait_dma2 semaphore(%arg13 : memref<!tpu.dma_semaphore, #tpu.memory_space<semaphore_mem>>) src(%dma_wait3A_73 : memref<128x128xf32, #tpu.memory_space<hbm>>) dst(%arg9 : memref<128x128xf32, #tpu.memory_space<vmem>>)
      %mul3A_74 = arith.constant 128 : i32
      %mul3A_75 = arith.muli %add3A_67, %mul3A_74 : i32
      %add3A_76 = arith.addi %mul3A_2, %mul3A_75 : i32
      %dma_start3A_77 = arith.constant 0 : i32
      %dma_start3A_78 = tpu.memref_slice %arg4[%add3A_76, %dma_start3A_77] : memref<163840x128xf32, #tpu.memory_space<hbm>> -> memref<128x128xf32, #tpu.memory_space<hbm>>
      %dma_start3A_79 = arith.constant 0 : i32
      %dma_start3A_80 = tpu.memref_slice %arg4[%add3A_76, %dma_start3A_79] : memref<163840x128xf32, #tpu.memory_space<hbm>> -> memref<128x128xf32, #tpu.memory_space<hbm>>
      tpu.enqueue_dma source(%arg9 : memref<128x128xf32, #tpu.memory_space<vmem>>) target(%dma_start3A_80 : memref<128x128xf32, #tpu.memory_space<hbm>>) target_semaphore(%arg15 : memref<!tpu.dma_semaphore, #tpu.memory_space<semaphore_mem>>)
      %lt3A_81 = arith.constant 38 : i32
      %lt3A_82 = arith.cmpi slt, %add3A_67, %lt3A_81 : i32
      %convert_element_type3A_83 = arith.extui %lt3A_82 : i1 to i32
      %cond3A_84 = arith.constant 0 : i32
      %cond3A_85 = arith.cmpi ne, %convert_element_type3A_83, %cond3A_84 : i32
      scf.if %cond3A_85 {
        %add3A_91 = arith.constant 2 : i32
        %add3A_92 = arith.addi %add3A_67, %add3A_91 : i32
        %mul3A_93 = arith.constant 128 : i32
        %mul3A_94 = arith.muli %add3A_92, %mul3A_93 : i32
        %add3A_95 = arith.addi %add3A_4, %mul3A_94 : i32
        %dma_start3A_96 = tpu.memref_slice %arg3[%add3A_95] : memref<655360xi32, #tpu.memory_space<hbm>> -> memref<128xi32, #tpu.memory_space<hbm>>
        %dma_start3A_97 = tpu.memref_slice %arg3[%add3A_95] : memref<655360xi32, #tpu.memory_space<hbm>> -> memref<128xi32, #tpu.memory_space<hbm>>
        tpu.enqueue_dma source(%dma_start3A_97 : memref<128xi32, #tpu.memory_space<hbm>>) target(%arg7 : memref<128xi32, #tpu.memory_space<vmem>>) target_semaphore(%arg11 : memref<!tpu.dma_semaphore, #tpu.memory_space<semaphore_mem>>)
      } else {
      }
      %lt3A_86 = arith.constant 39 : i32
      %lt3A_87 = arith.cmpi slt, %add3A_67, %lt3A_86 : i32
      %convert_element_type3A_88 = arith.extui %lt3A_87 : i1 to i32
      %cond3A_89 = arith.constant 0 : i32
      %cond3A_90 = arith.cmpi ne, %convert_element_type3A_88, %cond3A_89 : i32
      scf.if %cond3A_90 {
        %dma_wait3A_91 = arith.constant 0 : i32
        %dma_wait3A_92 = tpu.memref_slice %arg3[%dma_wait3A_91] : memref<655360xi32, #tpu.memory_space<hbm>> -> memref<128xi32, #tpu.memory_space<hbm>>
        %dma_wait3A_93 = arith.constant 0 : i32
        %dma_wait3A_94 = tpu.memref_slice %arg3[%dma_wait3A_93] : memref<655360xi32, #tpu.memory_space<hbm>> -> memref<128xi32, #tpu.memory_space<hbm>>
        tpu.wait_dma2 semaphore(%arg10 : memref<!tpu.dma_semaphore, #tpu.memory_space<semaphore_mem>>) src(%dma_wait3A_94 : memref<128xi32, #tpu.memory_space<hbm>>) dst(%arg6 : memref<128xi32, #tpu.memory_space<vmem>>)
        %ge3A = arith.constant 1 : i32
        %ge3A_95 = arith.cmpi sge, %add3A_67, %ge3A : i32
        %convert_element_type3A_96 = arith.extui %ge3A_95 : i1 to i32
        %cond3A_97 = arith.constant 0 : i32
        %cond3A_98 = arith.cmpi ne, %convert_element_type3A_96, %cond3A_97 : i32
        scf.if %cond3A_98 {
          %dma_wait3A_104 = arith.constant 0 : i32
          %dma_wait3A_105 = arith.constant 0 : i32
          %dma_wait3A_106 = tpu.memref_slice %arg4[%dma_wait3A_104, %dma_wait3A_105] : memref<163840x128xf32, #tpu.memory_space<hbm>> -> memref<128x128xf32, #tpu.memory_space<hbm>>
          %dma_wait3A_107 = arith.constant 0 : i32
          %dma_wait3A_108 = arith.constant 0 : i32
          %dma_wait3A_109 = tpu.memref_slice %arg4[%dma_wait3A_107, %dma_wait3A_108] : memref<163840x128xf32, #tpu.memory_space<hbm>> -> memref<128x128xf32, #tpu.memory_space<hbm>>
          tpu.wait_dma2 semaphore(%arg14 : memref<!tpu.dma_semaphore, #tpu.memory_space<semaphore_mem>>) src(%arg8 : memref<128x128xf32, #tpu.memory_space<vmem>>) dst(%dma_wait3A_109 : memref<128x128xf32, #tpu.memory_space<hbm>>)
        } else {
        }
        %add3A_99 = arith.constant 1 : i32
        %add3A_100 = arith.addi %add3A_67, %add3A_99 : i32
        %dma_start3A_101 = arith.constant 0 : i32
        %dma_start3A_102 = arith.constant 0 : i32
        %dma_start3A_103 = tpu.memref_slice %arg5[%dma_start3A_101, %dma_start3A_102] : memref<10000x128xf32, #tpu.memory_space<vmem_shared>> -> memref<10000x128xf32, #tpu.memory_space<vmem_shared>>
        tpu.enqueue_indirect_dma source(%dma_start3A_103 : memref<10000x128xf32, #tpu.memory_space<vmem_shared>>) target(%arg8 : memref<128x128xf32, #tpu.memory_space<vmem>>) offsets(%arg6 : memref<128xi32, #tpu.memory_space<vmem>>) semaphore(%arg12 : memref<!tpu.dma_semaphore, #tpu.memory_space<semaphore_mem>>)
      } else {
      }
    }
    %scan3A_24 = arith.constant 20 : i32
    %dma_wait3A_25 = arith.constant 0 : i32
    %dma_wait3A_26 = arith.constant 0 : i32
    %dma_wait3A_27 = tpu.memref_slice %arg4[%dma_wait3A_25, %dma_wait3A_26] : memref<163840x128xf32, #tpu.memory_space<hbm>> -> memref<128x128xf32, #tpu.memory_space<hbm>>
    %dma_wait3A_28 = arith.constant 0 : i32
    %dma_wait3A_29 = arith.constant 0 : i32
    %dma_wait3A_30 = tpu.memref_slice %arg4[%dma_wait3A_28, %dma_wait3A_29] : memref<163840x128xf32, #tpu.memory_space<hbm>> -> memref<128x128xf32, #tpu.memory_space<hbm>>
    tpu.wait_dma2 semaphore(%arg14 : memref<!tpu.dma_semaphore, #tpu.memory_space<semaphore_mem>>) src(%arg8 : memref<128x128xf32, #tpu.memory_space<vmem>>) dst(%dma_wait3A_30 : memref<128x128xf32, #tpu.memory_space<hbm>>)
    %dma_wait3A_31 = arith.constant 0 : i32
    %dma_wait3A_32 = arith.constant 0 : i32
    %dma_wait3A_33 = tpu.memref_slice %arg4[%dma_wait3A_31, %dma_wait3A_32] : memref<163840x128xf32, #tpu.memory_space<hbm>> -> memref<128x128xf32, #tpu.memory_space<hbm>>
    %dma_wait3A_34 = arith.constant 0 : i32
    %dma_wait3A_35 = arith.constant 0 : i32
    %dma_wait3A_36 = tpu.memref_slice %arg4[%dma_wait3A_34, %dma_wait3A_35] : memref<163840x128xf32, #tpu.memory_space<hbm>> -> memref<128x128xf32, #tpu.memory_space<hbm>>
    tpu.wait_dma2 semaphore(%arg15 : memref<!tpu.dma_semaphore, #tpu.memory_space<semaphore_mem>>) src(%arg9 : memref<128x128xf32, #tpu.memory_space<vmem>>) dst(%dma_wait3A_36 : memref<128x128xf32, #tpu.memory_space<hbm>>)
    return
  }
}

#map = affine_map<(d0, d1) -> (0, 0)>
#map1 = affine_map<(d0, d1) -> (0)>
module attributes {stable_mosaic.version = 14 : i64} {
  func.func @_sc_gather(%arg0: i32, %arg1: i32, %arg2: memref<10000x128xf32, #tpu.memory_space<hbm>>, %arg3: memref<655360xi32, #tpu.memory_space<hbm>>, %arg4: memref<163840x128xf32, #tpu.memory_space<hbm>>, %arg5: memref<10000x128xf32, #tpu.memory_space<vmem_shared>>, %arg6: memref<128xi32, #tpu.memory_space<vmem>>, %arg7: memref<128xi32, #tpu.memory_space<vmem>>, %arg8: memref<128x128xf32, #tpu.memory_space<vmem>>, %arg9: memref<128x128xf32, #tpu.memory_space<vmem>>, %arg10: memref<!tpu.dma_semaphore, #tpu.memory_space<semaphore_mem>>, %arg11: memref<!tpu.dma_semaphore, #tpu.memory_space<semaphore_mem>>, %arg12: memref<!tpu.dma_semaphore, #tpu.memory_space<semaphore_mem>>, %arg13: memref<!tpu.dma_semaphore, #tpu.memory_space<semaphore_mem>>, %arg14: memref<!tpu.dma_semaphore, #tpu.memory_space<semaphore_mem>>, %arg15: memref<!tpu.dma_semaphore, #tpu.memory_space<semaphore_mem>>) attributes {dimension_semantics = [#tpu.dimension_semantics<core_parallel>, #tpu.dimension_semantics<subcore_parallel>], iteration_bounds = array<i64: 2, 16>, scalar_prefetch = 0 : i64, scratch_operands = 11 : i64, tpu.core_type = #tpu.core_type<sc_vector_subcore>, window_params = [{transform_indices = #map}, {transform_indices = #map1}, {transform_indices = #map}]} {
    %mul3A = arith.constant 2 : i32
    %mul3A_0 = arith.muli %arg1, %mul3A : i32
    %add3A = arith.addi %mul3A_0, %arg0 : i32
    %mul3A_1 = arith.constant 5120 : i32
    %mul3A_2 = arith.muli %add3A, %mul3A_1 : i32
    %add3A_3 = arith.constant 163840 : i32
    %add3A_4 = arith.addi %add3A_3, %mul3A_2 : i32
    %eq3A = arith.constant 0 : i32
    %eq3A_5 = arith.cmpi eq, %arg1, %eq3A : i32
    %convert_element_type3A = arith.extui %eq3A_5 : i1 to i32
    %cond3A = arith.constant 0 : i32
    %cond3A_6 = arith.cmpi ne, %convert_element_type3A, %cond3A : i32
    scf.if %cond3A_6 {
      "tpu.region"() ({
        %run_scoped3A = tpu.sem_alloc : memref<!tpu.dma_semaphore, #tpu.memory_space<semaphore_mem>>
        tpu.enqueue_dma source(%arg2 : memref<10000x128xf32, #tpu.memory_space<hbm>>) target(%arg5 : memref<10000x128xf32, #tpu.memory_space<vmem_shared>>) target_semaphore(%run_scoped3A : memref<!tpu.dma_semaphore, #tpu.memory_space<semaphore_mem>>)
        tpu.wait_dma2 semaphore(%run_scoped3A : memref<!tpu.dma_semaphore, #tpu.memory_space<semaphore_mem>>) src(%arg2 : memref<10000x128xf32, #tpu.memory_space<hbm>>) dst(%arg5 : memref<10000x128xf32, #tpu.memory_space<vmem_shared>>)
        tpu.yield
      }) : () -> ()
    } else {
    }
    %barrier3A = arith.constant 0 : index
    tpu.barrier barrier_id(%barrier3A)
    %add3A_7 = arith.constant 0 : i32
    %add3A_8 = arith.addi %add3A_4, %add3A_7 : i32
    %dma_start3A = tpu.memref_slice %arg3[%add3A_8] : memref<655360xi32, #tpu.memory_space<hbm>> -> memref<128xi32, #tpu.memory_space<hbm>>
    %dma_start3A_9 = tpu.memref_slice %arg3[%add3A_8] : memref<655360xi32, #tpu.memory_space<hbm>> -> memref<128xi32, #tpu.memory_space<hbm>>
    tpu.enqueue_dma source(%dma_start3A_9 : memref<128xi32, #tpu.memory_space<hbm>>) target(%arg6 : memref<128xi32, #tpu.memory_space<vmem>>) target_semaphore(%arg10 : memref<!tpu.dma_semaphore, #tpu.memory_space<semaphore_mem>>)
    %add3A_10 = arith.constant 128 : i32
    %add3A_11 = arith.addi %add3A_4, %add3A_10 : i32
    %dma_start3A_12 = tpu.memref_slice %arg3[%add3A_11] : memref<655360xi32, #tpu.memory_space<hbm>> -> memref<128xi32, #tpu.memory_space<hbm>>
    %dma_start3A_13 = tpu.memref_slice %arg3[%add3A_11] : memref<655360xi32, #tpu.memory_space<hbm>> -> memref<128xi32, #tpu.memory_space<hbm>>
    tpu.enqueue_dma source(%dma_start3A_13 : memref<128xi32, #tpu.memory_space<hbm>>) target(%arg7 : memref<128xi32, #tpu.memory_space<vmem>>) target_semaphore(%arg11 : memref<!tpu.dma_semaphore, #tpu.memory_space<semaphore_mem>>)
    %dma_wait3A = arith.constant 0 : i32
    %dma_wait3A_14 = tpu.memref_slice %arg3[%dma_wait3A] : memref<655360xi32, #tpu.memory_space<hbm>> -> memref<128xi32, #tpu.memory_space<hbm>>
    %dma_wait3A_15 = arith.constant 0 : i32
    %dma_wait3A_16 = tpu.memref_slice %arg3[%dma_wait3A_15] : memref<655360xi32, #tpu.memory_space<hbm>> -> memref<128xi32, #tpu.memory_space<hbm>>
    tpu.wait_dma2 semaphore(%arg10 : memref<!tpu.dma_semaphore, #tpu.memory_space<semaphore_mem>>) src(%dma_wait3A_16 : memref<128xi32, #tpu.memory_space<hbm>>) dst(%arg6 : memref<128xi32, #tpu.memory_space<vmem>>)
    %dma_start3A_17 = arith.constant 0 : i32
    %dma_start3A_18 = arith.constant 0 : i32
    %dma_start3A_19 = tpu.memref_slice %arg5[%dma_start3A_17, %dma_start3A_18] : memref<10000x128xf32, #tpu.memory_space<vmem_shared>> -> memref<10000x128xf32, #tpu.memory_space<vmem_shared>>
    tpu.enqueue_indirect_dma source(%dma_start3A_19 : memref<10000x128xf32, #tpu.memory_space<vmem_shared>>) target(%arg8 : memref<128x128xf32, #tpu.memory_space<vmem>>) offsets(%arg6 : memref<128xi32, #tpu.memory_space<vmem>>) semaphore(%arg12 : memref<!tpu.dma_semaphore, #tpu.memory_space<semaphore_mem>>)
    %scan3A = arith.constant 0 : i32
    %scan3A_20 = arith.constant 0 : i32
    %scan3A_21 = arith.constant 20 : i32
    %scan3A_22 = arith.addi %scan3A_20, %scan3A_21 : i32
    %scan3A_23 = arith.constant 1 : i32
    scf.for %scan3A_37 = %scan3A_20 to %scan3A_22 step %scan3A_23  : i32 {
      %mul3A_38 = arith.constant 2 : i32
      %mul3A_39 = arith.muli %scan3A_37, %mul3A_38 : i32
      %add3A_40 = arith.constant 0 : i32
      %add3A_41 = arith.addi %mul3A_39, %add3A_40 : i32
      %dma_wait3A_42 = arith.constant 0 : i32
      %dma_wait3A_43 = arith.constant 0 : i32
      %dma_wait3A_44 = tpu.memref_slice %arg4[%dma_wait3A_42, %dma_wait3A_43] : memref<163840x128xf32, #tpu.memory_space<hbm>> -> memref<128x128xf32, #tpu.memory_space<hbm>>
      %dma_wait3A_45 = arith.constant 0 : i32
      %dma_wait3A_46 = arith.constant 0 : i32
      %dma_wait3A_47 = tpu.memref_slice %arg4[%dma_wait3A_45, %dma_wait3A_46] : memref<163840x128xf32, #tpu.memory_space<hbm>> -> memref<128x128xf32, #tpu.memory_space<hbm>>
      tpu.wait_dma2 semaphore(%arg12 : memref<!tpu.dma_semaphore, #tpu.memory_space<semaphore_mem>>) src(%dma_wait3A_47 : memref<128x128xf32, #tpu.memory_space<hbm>>) dst(%arg8 : memref<128x128xf32, #tpu.memory_space<vmem>>)
      %mul3A_48 = arith.constant 128 : i32
      %mul3A_49 = arith.muli %add3A_41, %mul3A_48 : i32
      %add3A_50 = arith.addi %mul3A_2, %mul3A_49 : i32
      %dma_start3A_51 = arith.constant 0 : i32
      %dma_start3A_52 = tpu.memref_slice %arg4[%add3A_50, %dma_start3A_51] : memref<163840x128xf32, #tpu.memory_space<hbm>> -> memref<128x128xf32, #tpu.memory_space<hbm>>
      %dma_start3A_53 = arith.constant 0 : i32
      %dma_start3A_54 = tpu.memref_slice %arg4[%add3A_50, %dma_start3A_53] : memref<163840x128xf32, #tpu.memory_space<hbm>> -> memref<128x128xf32, #tpu.memory_space<hbm>>
      tpu.enqueue_dma source(%arg8 : memref<128x128xf32, #tpu.memory_space<vmem>>) target(%dma_start3A_54 : memref<128x128xf32, #tpu.memory_space<hbm>>) target_semaphore(%arg14 : memref<!tpu.dma_semaphore, #tpu.memory_space<semaphore_mem>>)
      %lt3A = arith.constant 38 : i32
      %lt3A_55 = arith.cmpi slt, %add3A_41, %lt3A : i32
      %convert_element_type3A_56 = arith.extui %lt3A_55 : i1 to i32
      %cond3A_57 = arith.constant 0 : i32
      %cond3A_58 = arith.cmpi ne, %convert_element_type3A_56, %cond3A_57 : i32
      scf.if %cond3A_58 {
        %add3A_91 = arith.constant 2 : i32
        %add3A_92 = arith.addi %add3A_41, %add3A_91 : i32
        %mul3A_93 = arith.constant 128 : i32
        %mul3A_94 = arith.muli %add3A_92, %mul3A_93 : i32
        %add3A_95 = arith.addi %add3A_4, %mul3A_94 : i32
        %dma_start3A_96 = tpu.memref_slice %arg3[%add3A_95] : memref<655360xi32, #tpu.memory_space<hbm>> -> memref<128xi32, #tpu.memory_space<hbm>>
        %dma_start3A_97 = tpu.memref_slice %arg3[%add3A_95] : memref<655360xi32, #tpu.memory_space<hbm>> -> memref<128xi32, #tpu.memory_space<hbm>>
        tpu.enqueue_dma source(%dma_start3A_97 : memref<128xi32, #tpu.memory_space<hbm>>) target(%arg6 : memref<128xi32, #tpu.memory_space<vmem>>) target_semaphore(%arg10 : memref<!tpu.dma_semaphore, #tpu.memory_space<semaphore_mem>>)
      } else {
      }
      %lt3A_59 = arith.constant 39 : i32
      %lt3A_60 = arith.cmpi slt, %add3A_41, %lt3A_59 : i32
      %convert_element_type3A_61 = arith.extui %lt3A_60 : i1 to i32
      %cond3A_62 = arith.constant 0 : i32
      %cond3A_63 = arith.cmpi ne, %convert_element_type3A_61, %cond3A_62 : i32
      scf.if %cond3A_63 {
        %dma_wait3A_91 = arith.constant 0 : i32
        %dma_wait3A_92 = tpu.memref_slice %arg3[%dma_wait3A_91] : memref<655360xi32, #tpu.memory_space<hbm>> -> memref<128xi32, #tpu.memory_space<hbm>>
        %dma_wait3A_93 = arith.constant 0 : i32
        %dma_wait3A_94 = tpu.memref_slice %arg3[%dma_wait3A_93] : memref<655360xi32, #tpu.memory_space<hbm>> -> memref<128xi32, #tpu.memory_space<hbm>>
        tpu.wait_dma2 semaphore(%arg11 : memref<!tpu.dma_semaphore, #tpu.memory_space<semaphore_mem>>) src(%dma_wait3A_94 : memref<128xi32, #tpu.memory_space<hbm>>) dst(%arg7 : memref<128xi32, #tpu.memory_space<vmem>>)
        %ge3A = arith.constant 1 : i32
        %ge3A_95 = arith.cmpi sge, %add3A_41, %ge3A : i32
        %convert_element_type3A_96 = arith.extui %ge3A_95 : i1 to i32
        %cond3A_97 = arith.constant 0 : i32
        %cond3A_98 = arith.cmpi ne, %convert_element_type3A_96, %cond3A_97 : i32
        scf.if %cond3A_98 {
          %dma_wait3A_104 = arith.constant 0 : i32
          %dma_wait3A_105 = arith.constant 0 : i32
          %dma_wait3A_106 = tpu.memref_slice %arg4[%dma_wait3A_104, %dma_wait3A_105] : memref<163840x128xf32, #tpu.memory_space<hbm>> -> memref<128x128xf32, #tpu.memory_space<hbm>>
          %dma_wait3A_107 = arith.constant 0 : i32
          %dma_wait3A_108 = arith.constant 0 : i32
          %dma_wait3A_109 = tpu.memref_slice %arg4[%dma_wait3A_107, %dma_wait3A_108] : memref<163840x128xf32, #tpu.memory_space<hbm>> -> memref<128x128xf32, #tpu.memory_space<hbm>>
          tpu.wait_dma2 semaphore(%arg15 : memref<!tpu.dma_semaphore, #tpu.memory_space<semaphore_mem>>) src(%arg9 : memref<128x128xf32, #tpu.memory_space<vmem>>) dst(%dma_wait3A_109 : memref<128x128xf32, #tpu.memory_space<hbm>>)
        } else {
        }
        %add3A_99 = arith.constant 1 : i32
        %add3A_100 = arith.addi %add3A_41, %add3A_99 : i32
        %dma_start3A_101 = arith.constant 0 : i32
        %dma_start3A_102 = arith.constant 0 : i32
        %dma_start3A_103 = tpu.memref_slice %arg5[%dma_start3A_101, %dma_start3A_102] : memref<10000x128xf32, #tpu.memory_space<vmem_shared>> -> memref<10000x128xf32, #tpu.memory_space<vmem_shared>>
        tpu.enqueue_indirect_dma source(%dma_start3A_103 : memref<10000x128xf32, #tpu.memory_space<vmem_shared>>) target(%arg9 : memref<128x128xf32, #tpu.memory_space<vmem>>) offsets(%arg7 : memref<128xi32, #tpu.memory_space<vmem>>) semaphore(%arg13 : memref<!tpu.dma_semaphore, #tpu.memory_space<semaphore_mem>>)
      } else {
      }
      %mul3A_64 = arith.constant 2 : i32
      %mul3A_65 = arith.muli %scan3A_37, %mul3A_64 : i32
      %add3A_66 = arith.constant 1 : i32
      %add3A_67 = arith.addi %mul3A_65, %add3A_66 : i32
      %dma_wait3A_68 = arith.constant 0 : i32
      %dma_wait3A_69 = arith.constant 0 : i32
      %dma_wait3A_70 = tpu.memref_slice %arg4[%dma_wait3A_68, %dma_wait3A_69] : memref<163840x128xf32, #tpu.memory_space<hbm>> -> memref<128x128xf32, #tpu.memory_space<hbm>>
      %dma_wait3A_71 = arith.constant 0 : i32
      %dma_wait3A_72 = arith.constant 0 : i32
      %dma_wait3A_73 = tpu.memref_slice %arg4[%dma_wait3A_71, %dma_wait3A_72] : memref<163840x128xf32, #tpu.memory_space<hbm>> -> memref<128x128xf32, #tpu.memory_space<hbm>>
      tpu.wait_dma2 semaphore(%arg13 : memref<!tpu.dma_semaphore, #tpu.memory_space<semaphore_mem>>) src(%dma_wait3A_73 : memref<128x128xf32, #tpu.memory_space<hbm>>) dst(%arg9 : memref<128x128xf32, #tpu.memory_space<vmem>>)
      %mul3A_74 = arith.constant 128 : i32
      %mul3A_75 = arith.muli %add3A_67, %mul3A_74 : i32
      %add3A_76 = arith.addi %mul3A_2, %mul3A_75 : i32
      %dma_start3A_77 = arith.constant 0 : i32
      %dma_start3A_78 = tpu.memref_slice %arg4[%add3A_76, %dma_start3A_77] : memref<163840x128xf32, #tpu.memory_space<hbm>> -> memref<128x128xf32, #tpu.memory_space<hbm>>
      %dma_start3A_79 = arith.constant 0 : i32
      %dma_start3A_80 = tpu.memref_slice %arg4[%add3A_76, %dma_start3A_79] : memref<163840x128xf32, #tpu.memory_space<hbm>> -> memref<128x128xf32, #tpu.memory_space<hbm>>
      tpu.enqueue_dma source(%arg9 : memref<128x128xf32, #tpu.memory_space<vmem>>) target(%dma_start3A_80 : memref<128x128xf32, #tpu.memory_space<hbm>>) target_semaphore(%arg15 : memref<!tpu.dma_semaphore, #tpu.memory_space<semaphore_mem>>)
      %lt3A_81 = arith.constant 38 : i32
      %lt3A_82 = arith.cmpi slt, %add3A_67, %lt3A_81 : i32
      %convert_element_type3A_83 = arith.extui %lt3A_82 : i1 to i32
      %cond3A_84 = arith.constant 0 : i32
      %cond3A_85 = arith.cmpi ne, %convert_element_type3A_83, %cond3A_84 : i32
      scf.if %cond3A_85 {
        %add3A_91 = arith.constant 2 : i32
        %add3A_92 = arith.addi %add3A_67, %add3A_91 : i32
        %mul3A_93 = arith.constant 128 : i32
        %mul3A_94 = arith.muli %add3A_92, %mul3A_93 : i32
        %add3A_95 = arith.addi %add3A_4, %mul3A_94 : i32
        %dma_start3A_96 = tpu.memref_slice %arg3[%add3A_95] : memref<655360xi32, #tpu.memory_space<hbm>> -> memref<128xi32, #tpu.memory_space<hbm>>
        %dma_start3A_97 = tpu.memref_slice %arg3[%add3A_95] : memref<655360xi32, #tpu.memory_space<hbm>> -> memref<128xi32, #tpu.memory_space<hbm>>
        tpu.enqueue_dma source(%dma_start3A_97 : memref<128xi32, #tpu.memory_space<hbm>>) target(%arg7 : memref<128xi32, #tpu.memory_space<vmem>>) target_semaphore(%arg11 : memref<!tpu.dma_semaphore, #tpu.memory_space<semaphore_mem>>)
      } else {
      }
      %lt3A_86 = arith.constant 39 : i32
      %lt3A_87 = arith.cmpi slt, %add3A_67, %lt3A_86 : i32
      %convert_element_type3A_88 = arith.extui %lt3A_87 : i1 to i32
      %cond3A_89 = arith.constant 0 : i32
      %cond3A_90 = arith.cmpi ne, %convert_element_type3A_88, %cond3A_89 : i32
      scf.if %cond3A_90 {
        %dma_wait3A_91 = arith.constant 0 : i32
        %dma_wait3A_92 = tpu.memref_slice %arg3[%dma_wait3A_91] : memref<655360xi32, #tpu.memory_space<hbm>> -> memref<128xi32, #tpu.memory_space<hbm>>
        %dma_wait3A_93 = arith.constant 0 : i32
        %dma_wait3A_94 = tpu.memref_slice %arg3[%dma_wait3A_93] : memref<655360xi32, #tpu.memory_space<hbm>> -> memref<128xi32, #tpu.memory_space<hbm>>
        tpu.wait_dma2 semaphore(%arg10 : memref<!tpu.dma_semaphore, #tpu.memory_space<semaphore_mem>>) src(%dma_wait3A_94 : memref<128xi32, #tpu.memory_space<hbm>>) dst(%arg6 : memref<128xi32, #tpu.memory_space<vmem>>)
        %ge3A = arith.constant 1 : i32
        %ge3A_95 = arith.cmpi sge, %add3A_67, %ge3A : i32
        %convert_element_type3A_96 = arith.extui %ge3A_95 : i1 to i32
        %cond3A_97 = arith.constant 0 : i32
        %cond3A_98 = arith.cmpi ne, %convert_element_type3A_96, %cond3A_97 : i32
        scf.if %cond3A_98 {
          %dma_wait3A_104 = arith.constant 0 : i32
          %dma_wait3A_105 = arith.constant 0 : i32
          %dma_wait3A_106 = tpu.memref_slice %arg4[%dma_wait3A_104, %dma_wait3A_105] : memref<163840x128xf32, #tpu.memory_space<hbm>> -> memref<128x128xf32, #tpu.memory_space<hbm>>
          %dma_wait3A_107 = arith.constant 0 : i32
          %dma_wait3A_108 = arith.constant 0 : i32
          %dma_wait3A_109 = tpu.memref_slice %arg4[%dma_wait3A_107, %dma_wait3A_108] : memref<163840x128xf32, #tpu.memory_space<hbm>> -> memref<128x128xf32, #tpu.memory_space<hbm>>
          tpu.wait_dma2 semaphore(%arg14 : memref<!tpu.dma_semaphore, #tpu.memory_space<semaphore_mem>>) src(%arg8 : memref<128x128xf32, #tpu.memory_space<vmem>>) dst(%dma_wait3A_109 : memref<128x128xf32, #tpu.memory_space<hbm>>)
        } else {
        }
        %add3A_99 = arith.constant 1 : i32
        %add3A_100 = arith.addi %add3A_67, %add3A_99 : i32
        %dma_start3A_101 = arith.constant 0 : i32
        %dma_start3A_102 = arith.constant 0 : i32
        %dma_start3A_103 = tpu.memref_slice %arg5[%dma_start3A_101, %dma_start3A_102] : memref<10000x128xf32, #tpu.memory_space<vmem_shared>> -> memref<10000x128xf32, #tpu.memory_space<vmem_shared>>
        tpu.enqueue_indirect_dma source(%dma_start3A_103 : memref<10000x128xf32, #tpu.memory_space<vmem_shared>>) target(%arg8 : memref<128x128xf32, #tpu.memory_space<vmem>>) offsets(%arg6 : memref<128xi32, #tpu.memory_space<vmem>>) semaphore(%arg12 : memref<!tpu.dma_semaphore, #tpu.memory_space<semaphore_mem>>)
      } else {
      }
    }
    %scan3A_24 = arith.constant 20 : i32
    %dma_wait3A_25 = arith.constant 0 : i32
    %dma_wait3A_26 = arith.constant 0 : i32
    %dma_wait3A_27 = tpu.memref_slice %arg4[%dma_wait3A_25, %dma_wait3A_26] : memref<163840x128xf32, #tpu.memory_space<hbm>> -> memref<128x128xf32, #tpu.memory_space<hbm>>
    %dma_wait3A_28 = arith.constant 0 : i32
    %dma_wait3A_29 = arith.constant 0 : i32
    %dma_wait3A_30 = tpu.memref_slice %arg4[%dma_wait3A_28, %dma_wait3A_29] : memref<163840x128xf32, #tpu.memory_space<hbm>> -> memref<128x128xf32, #tpu.memory_space<hbm>>
    tpu.wait_dma2 semaphore(%arg14 : memref<!tpu.dma_semaphore, #tpu.memory_space<semaphore_mem>>) src(%arg8 : memref<128x128xf32, #tpu.memory_space<vmem>>) dst(%dma_wait3A_30 : memref<128x128xf32, #tpu.memory_space<hbm>>)
    %dma_wait3A_31 = arith.constant 0 : i32
    %dma_wait3A_32 = arith.constant 0 : i32
    %dma_wait3A_33 = tpu.memref_slice %arg4[%dma_wait3A_31, %dma_wait3A_32] : memref<163840x128xf32, #tpu.memory_space<hbm>> -> memref<128x128xf32, #tpu.memory_space<hbm>>
    %dma_wait3A_34 = arith.constant 0 : i32
    %dma_wait3A_35 = arith.constant 0 : i32
    %dma_wait3A_36 = tpu.memref_slice %arg4[%dma_wait3A_34, %dma_wait3A_35] : memref<163840x128xf32, #tpu.memory_space<hbm>> -> memref<128x128xf32, #tpu.memory_space<hbm>>
    tpu.wait_dma2 semaphore(%arg15 : memref<!tpu.dma_semaphore, #tpu.memory_space<semaphore_mem>>) src(%arg9 : memref<128x128xf32, #tpu.memory_space<vmem>>) dst(%dma_wait3A_36 : memref<128x128xf32, #tpu.memory_space<hbm>>)
    return
  }
}

#map = affine_map<(d0, d1) -> (0, 0)>
#map1 = affine_map<(d0, d1) -> (0)>
module attributes {stable_mosaic.version = 14 : i64} {
  func.func @_sc_gather(%arg0: i32, %arg1: i32, %arg2: memref<10000x128xf32, #tpu.memory_space<hbm>>, %arg3: memref<655360xi32, #tpu.memory_space<hbm>>, %arg4: memref<163840x128xf32, #tpu.memory_space<hbm>>, %arg5: memref<10000x128xf32, #tpu.memory_space<vmem_shared>>, %arg6: memref<128xi32, #tpu.memory_space<vmem>>, %arg7: memref<128xi32, #tpu.memory_space<vmem>>, %arg8: memref<128x128xf32, #tpu.memory_space<vmem>>, %arg9: memref<128x128xf32, #tpu.memory_space<vmem>>, %arg10: memref<!tpu.dma_semaphore, #tpu.memory_space<semaphore_mem>>, %arg11: memref<!tpu.dma_semaphore, #tpu.memory_space<semaphore_mem>>, %arg12: memref<!tpu.dma_semaphore, #tpu.memory_space<semaphore_mem>>, %arg13: memref<!tpu.dma_semaphore, #tpu.memory_space<semaphore_mem>>, %arg14: memref<!tpu.dma_semaphore, #tpu.memory_space<semaphore_mem>>, %arg15: memref<!tpu.dma_semaphore, #tpu.memory_space<semaphore_mem>>) attributes {dimension_semantics = [#tpu.dimension_semantics<core_parallel>, #tpu.dimension_semantics<subcore_parallel>], iteration_bounds = array<i64: 2, 16>, scalar_prefetch = 0 : i64, scratch_operands = 11 : i64, tpu.core_type = #tpu.core_type<sc_vector_subcore>, window_params = [{transform_indices = #map}, {transform_indices = #map1}, {transform_indices = #map}]} {
    %mul3A = arith.constant 2 : i32
    %mul3A_0 = arith.muli %arg1, %mul3A : i32
    %add3A = arith.addi %mul3A_0, %arg0 : i32
    %mul3A_1 = arith.constant 5120 : i32
    %mul3A_2 = arith.muli %add3A, %mul3A_1 : i32
    %add3A_3 = arith.constant 327680 : i32
    %add3A_4 = arith.addi %add3A_3, %mul3A_2 : i32
    %eq3A = arith.constant 0 : i32
    %eq3A_5 = arith.cmpi eq, %arg1, %eq3A : i32
    %convert_element_type3A = arith.extui %eq3A_5 : i1 to i32
    %cond3A = arith.constant 0 : i32
    %cond3A_6 = arith.cmpi ne, %convert_element_type3A, %cond3A : i32
    scf.if %cond3A_6 {
      "tpu.region"() ({
        %run_scoped3A = tpu.sem_alloc : memref<!tpu.dma_semaphore, #tpu.memory_space<semaphore_mem>>
        tpu.enqueue_dma source(%arg2 : memref<10000x128xf32, #tpu.memory_space<hbm>>) target(%arg5 : memref<10000x128xf32, #tpu.memory_space<vmem_shared>>) target_semaphore(%run_scoped3A : memref<!tpu.dma_semaphore, #tpu.memory_space<semaphore_mem>>)
        tpu.wait_dma2 semaphore(%run_scoped3A : memref<!tpu.dma_semaphore, #tpu.memory_space<semaphore_mem>>) src(%arg2 : memref<10000x128xf32, #tpu.memory_space<hbm>>) dst(%arg5 : memref<10000x128xf32, #tpu.memory_space<vmem_shared>>)
        tpu.yield
      }) : () -> ()
    } else {
    }
    %barrier3A = arith.constant 0 : index
    tpu.barrier barrier_id(%barrier3A)
    %add3A_7 = arith.constant 0 : i32
    %add3A_8 = arith.addi %add3A_4, %add3A_7 : i32
    %dma_start3A = tpu.memref_slice %arg3[%add3A_8] : memref<655360xi32, #tpu.memory_space<hbm>> -> memref<128xi32, #tpu.memory_space<hbm>>
    %dma_start3A_9 = tpu.memref_slice %arg3[%add3A_8] : memref<655360xi32, #tpu.memory_space<hbm>> -> memref<128xi32, #tpu.memory_space<hbm>>
    tpu.enqueue_dma source(%dma_start3A_9 : memref<128xi32, #tpu.memory_space<hbm>>) target(%arg6 : memref<128xi32, #tpu.memory_space<vmem>>) target_semaphore(%arg10 : memref<!tpu.dma_semaphore, #tpu.memory_space<semaphore_mem>>)
    %add3A_10 = arith.constant 128 : i32
    %add3A_11 = arith.addi %add3A_4, %add3A_10 : i32
    %dma_start3A_12 = tpu.memref_slice %arg3[%add3A_11] : memref<655360xi32, #tpu.memory_space<hbm>> -> memref<128xi32, #tpu.memory_space<hbm>>
    %dma_start3A_13 = tpu.memref_slice %arg3[%add3A_11] : memref<655360xi32, #tpu.memory_space<hbm>> -> memref<128xi32, #tpu.memory_space<hbm>>
    tpu.enqueue_dma source(%dma_start3A_13 : memref<128xi32, #tpu.memory_space<hbm>>) target(%arg7 : memref<128xi32, #tpu.memory_space<vmem>>) target_semaphore(%arg11 : memref<!tpu.dma_semaphore, #tpu.memory_space<semaphore_mem>>)
    %dma_wait3A = arith.constant 0 : i32
    %dma_wait3A_14 = tpu.memref_slice %arg3[%dma_wait3A] : memref<655360xi32, #tpu.memory_space<hbm>> -> memref<128xi32, #tpu.memory_space<hbm>>
    %dma_wait3A_15 = arith.constant 0 : i32
    %dma_wait3A_16 = tpu.memref_slice %arg3[%dma_wait3A_15] : memref<655360xi32, #tpu.memory_space<hbm>> -> memref<128xi32, #tpu.memory_space<hbm>>
    tpu.wait_dma2 semaphore(%arg10 : memref<!tpu.dma_semaphore, #tpu.memory_space<semaphore_mem>>) src(%dma_wait3A_16 : memref<128xi32, #tpu.memory_space<hbm>>) dst(%arg6 : memref<128xi32, #tpu.memory_space<vmem>>)
    %dma_start3A_17 = arith.constant 0 : i32
    %dma_start3A_18 = arith.constant 0 : i32
    %dma_start3A_19 = tpu.memref_slice %arg5[%dma_start3A_17, %dma_start3A_18] : memref<10000x128xf32, #tpu.memory_space<vmem_shared>> -> memref<10000x128xf32, #tpu.memory_space<vmem_shared>>
    tpu.enqueue_indirect_dma source(%dma_start3A_19 : memref<10000x128xf32, #tpu.memory_space<vmem_shared>>) target(%arg8 : memref<128x128xf32, #tpu.memory_space<vmem>>) offsets(%arg6 : memref<128xi32, #tpu.memory_space<vmem>>) semaphore(%arg12 : memref<!tpu.dma_semaphore, #tpu.memory_space<semaphore_mem>>)
    %scan3A = arith.constant 0 : i32
    %scan3A_20 = arith.constant 0 : i32
    %scan3A_21 = arith.constant 20 : i32
    %scan3A_22 = arith.addi %scan3A_20, %scan3A_21 : i32
    %scan3A_23 = arith.constant 1 : i32
    scf.for %scan3A_37 = %scan3A_20 to %scan3A_22 step %scan3A_23  : i32 {
      %mul3A_38 = arith.constant 2 : i32
      %mul3A_39 = arith.muli %scan3A_37, %mul3A_38 : i32
      %add3A_40 = arith.constant 0 : i32
      %add3A_41 = arith.addi %mul3A_39, %add3A_40 : i32
      %dma_wait3A_42 = arith.constant 0 : i32
      %dma_wait3A_43 = arith.constant 0 : i32
      %dma_wait3A_44 = tpu.memref_slice %arg4[%dma_wait3A_42, %dma_wait3A_43] : memref<163840x128xf32, #tpu.memory_space<hbm>> -> memref<128x128xf32, #tpu.memory_space<hbm>>
      %dma_wait3A_45 = arith.constant 0 : i32
      %dma_wait3A_46 = arith.constant 0 : i32
      %dma_wait3A_47 = tpu.memref_slice %arg4[%dma_wait3A_45, %dma_wait3A_46] : memref<163840x128xf32, #tpu.memory_space<hbm>> -> memref<128x128xf32, #tpu.memory_space<hbm>>
      tpu.wait_dma2 semaphore(%arg12 : memref<!tpu.dma_semaphore, #tpu.memory_space<semaphore_mem>>) src(%dma_wait3A_47 : memref<128x128xf32, #tpu.memory_space<hbm>>) dst(%arg8 : memref<128x128xf32, #tpu.memory_space<vmem>>)
      %mul3A_48 = arith.constant 128 : i32
      %mul3A_49 = arith.muli %add3A_41, %mul3A_48 : i32
      %add3A_50 = arith.addi %mul3A_2, %mul3A_49 : i32
      %dma_start3A_51 = arith.constant 0 : i32
      %dma_start3A_52 = tpu.memref_slice %arg4[%add3A_50, %dma_start3A_51] : memref<163840x128xf32, #tpu.memory_space<hbm>> -> memref<128x128xf32, #tpu.memory_space<hbm>>
      %dma_start3A_53 = arith.constant 0 : i32
      %dma_start3A_54 = tpu.memref_slice %arg4[%add3A_50, %dma_start3A_53] : memref<163840x128xf32, #tpu.memory_space<hbm>> -> memref<128x128xf32, #tpu.memory_space<hbm>>
      tpu.enqueue_dma source(%arg8 : memref<128x128xf32, #tpu.memory_space<vmem>>) target(%dma_start3A_54 : memref<128x128xf32, #tpu.memory_space<hbm>>) target_semaphore(%arg14 : memref<!tpu.dma_semaphore, #tpu.memory_space<semaphore_mem>>)
      %lt3A = arith.constant 38 : i32
      %lt3A_55 = arith.cmpi slt, %add3A_41, %lt3A : i32
      %convert_element_type3A_56 = arith.extui %lt3A_55 : i1 to i32
      %cond3A_57 = arith.constant 0 : i32
      %cond3A_58 = arith.cmpi ne, %convert_element_type3A_56, %cond3A_57 : i32
      scf.if %cond3A_58 {
        %add3A_91 = arith.constant 2 : i32
        %add3A_92 = arith.addi %add3A_41, %add3A_91 : i32
        %mul3A_93 = arith.constant 128 : i32
        %mul3A_94 = arith.muli %add3A_92, %mul3A_93 : i32
        %add3A_95 = arith.addi %add3A_4, %mul3A_94 : i32
        %dma_start3A_96 = tpu.memref_slice %arg3[%add3A_95] : memref<655360xi32, #tpu.memory_space<hbm>> -> memref<128xi32, #tpu.memory_space<hbm>>
        %dma_start3A_97 = tpu.memref_slice %arg3[%add3A_95] : memref<655360xi32, #tpu.memory_space<hbm>> -> memref<128xi32, #tpu.memory_space<hbm>>
        tpu.enqueue_dma source(%dma_start3A_97 : memref<128xi32, #tpu.memory_space<hbm>>) target(%arg6 : memref<128xi32, #tpu.memory_space<vmem>>) target_semaphore(%arg10 : memref<!tpu.dma_semaphore, #tpu.memory_space<semaphore_mem>>)
      } else {
      }
      %lt3A_59 = arith.constant 39 : i32
      %lt3A_60 = arith.cmpi slt, %add3A_41, %lt3A_59 : i32
      %convert_element_type3A_61 = arith.extui %lt3A_60 : i1 to i32
      %cond3A_62 = arith.constant 0 : i32
      %cond3A_63 = arith.cmpi ne, %convert_element_type3A_61, %cond3A_62 : i32
      scf.if %cond3A_63 {
        %dma_wait3A_91 = arith.constant 0 : i32
        %dma_wait3A_92 = tpu.memref_slice %arg3[%dma_wait3A_91] : memref<655360xi32, #tpu.memory_space<hbm>> -> memref<128xi32, #tpu.memory_space<hbm>>
        %dma_wait3A_93 = arith.constant 0 : i32
        %dma_wait3A_94 = tpu.memref_slice %arg3[%dma_wait3A_93] : memref<655360xi32, #tpu.memory_space<hbm>> -> memref<128xi32, #tpu.memory_space<hbm>>
        tpu.wait_dma2 semaphore(%arg11 : memref<!tpu.dma_semaphore, #tpu.memory_space<semaphore_mem>>) src(%dma_wait3A_94 : memref<128xi32, #tpu.memory_space<hbm>>) dst(%arg7 : memref<128xi32, #tpu.memory_space<vmem>>)
        %ge3A = arith.constant 1 : i32
        %ge3A_95 = arith.cmpi sge, %add3A_41, %ge3A : i32
        %convert_element_type3A_96 = arith.extui %ge3A_95 : i1 to i32
        %cond3A_97 = arith.constant 0 : i32
        %cond3A_98 = arith.cmpi ne, %convert_element_type3A_96, %cond3A_97 : i32
        scf.if %cond3A_98 {
          %dma_wait3A_104 = arith.constant 0 : i32
          %dma_wait3A_105 = arith.constant 0 : i32
          %dma_wait3A_106 = tpu.memref_slice %arg4[%dma_wait3A_104, %dma_wait3A_105] : memref<163840x128xf32, #tpu.memory_space<hbm>> -> memref<128x128xf32, #tpu.memory_space<hbm>>
          %dma_wait3A_107 = arith.constant 0 : i32
          %dma_wait3A_108 = arith.constant 0 : i32
          %dma_wait3A_109 = tpu.memref_slice %arg4[%dma_wait3A_107, %dma_wait3A_108] : memref<163840x128xf32, #tpu.memory_space<hbm>> -> memref<128x128xf32, #tpu.memory_space<hbm>>
          tpu.wait_dma2 semaphore(%arg15 : memref<!tpu.dma_semaphore, #tpu.memory_space<semaphore_mem>>) src(%arg9 : memref<128x128xf32, #tpu.memory_space<vmem>>) dst(%dma_wait3A_109 : memref<128x128xf32, #tpu.memory_space<hbm>>)
        } else {
        }
        %add3A_99 = arith.constant 1 : i32
        %add3A_100 = arith.addi %add3A_41, %add3A_99 : i32
        %dma_start3A_101 = arith.constant 0 : i32
        %dma_start3A_102 = arith.constant 0 : i32
        %dma_start3A_103 = tpu.memref_slice %arg5[%dma_start3A_101, %dma_start3A_102] : memref<10000x128xf32, #tpu.memory_space<vmem_shared>> -> memref<10000x128xf32, #tpu.memory_space<vmem_shared>>
        tpu.enqueue_indirect_dma source(%dma_start3A_103 : memref<10000x128xf32, #tpu.memory_space<vmem_shared>>) target(%arg9 : memref<128x128xf32, #tpu.memory_space<vmem>>) offsets(%arg7 : memref<128xi32, #tpu.memory_space<vmem>>) semaphore(%arg13 : memref<!tpu.dma_semaphore, #tpu.memory_space<semaphore_mem>>)
      } else {
      }
      %mul3A_64 = arith.constant 2 : i32
      %mul3A_65 = arith.muli %scan3A_37, %mul3A_64 : i32
      %add3A_66 = arith.constant 1 : i32
      %add3A_67 = arith.addi %mul3A_65, %add3A_66 : i32
      %dma_wait3A_68 = arith.constant 0 : i32
      %dma_wait3A_69 = arith.constant 0 : i32
      %dma_wait3A_70 = tpu.memref_slice %arg4[%dma_wait3A_68, %dma_wait3A_69] : memref<163840x128xf32, #tpu.memory_space<hbm>> -> memref<128x128xf32, #tpu.memory_space<hbm>>
      %dma_wait3A_71 = arith.constant 0 : i32
      %dma_wait3A_72 = arith.constant 0 : i32
      %dma_wait3A_73 = tpu.memref_slice %arg4[%dma_wait3A_71, %dma_wait3A_72] : memref<163840x128xf32, #tpu.memory_space<hbm>> -> memref<128x128xf32, #tpu.memory_space<hbm>>
      tpu.wait_dma2 semaphore(%arg13 : memref<!tpu.dma_semaphore, #tpu.memory_space<semaphore_mem>>) src(%dma_wait3A_73 : memref<128x128xf32, #tpu.memory_space<hbm>>) dst(%arg9 : memref<128x128xf32, #tpu.memory_space<vmem>>)
      %mul3A_74 = arith.constant 128 : i32
      %mul3A_75 = arith.muli %add3A_67, %mul3A_74 : i32
      %add3A_76 = arith.addi %mul3A_2, %mul3A_75 : i32
      %dma_start3A_77 = arith.constant 0 : i32
      %dma_start3A_78 = tpu.memref_slice %arg4[%add3A_76, %dma_start3A_77] : memref<163840x128xf32, #tpu.memory_space<hbm>> -> memref<128x128xf32, #tpu.memory_space<hbm>>
      %dma_start3A_79 = arith.constant 0 : i32
      %dma_start3A_80 = tpu.memref_slice %arg4[%add3A_76, %dma_start3A_79] : memref<163840x128xf32, #tpu.memory_space<hbm>> -> memref<128x128xf32, #tpu.memory_space<hbm>>
      tpu.enqueue_dma source(%arg9 : memref<128x128xf32, #tpu.memory_space<vmem>>) target(%dma_start3A_80 : memref<128x128xf32, #tpu.memory_space<hbm>>) target_semaphore(%arg15 : memref<!tpu.dma_semaphore, #tpu.memory_space<semaphore_mem>>)
      %lt3A_81 = arith.constant 38 : i32
      %lt3A_82 = arith.cmpi slt, %add3A_67, %lt3A_81 : i32
      %convert_element_type3A_83 = arith.extui %lt3A_82 : i1 to i32
      %cond3A_84 = arith.constant 0 : i32
      %cond3A_85 = arith.cmpi ne, %convert_element_type3A_83, %cond3A_84 : i32
      scf.if %cond3A_85 {
        %add3A_91 = arith.constant 2 : i32
        %add3A_92 = arith.addi %add3A_67, %add3A_91 : i32
        %mul3A_93 = arith.constant 128 : i32
        %mul3A_94 = arith.muli %add3A_92, %mul3A_93 : i32
        %add3A_95 = arith.addi %add3A_4, %mul3A_94 : i32
        %dma_start3A_96 = tpu.memref_slice %arg3[%add3A_95] : memref<655360xi32, #tpu.memory_space<hbm>> -> memref<128xi32, #tpu.memory_space<hbm>>
        %dma_start3A_97 = tpu.memref_slice %arg3[%add3A_95] : memref<655360xi32, #tpu.memory_space<hbm>> -> memref<128xi32, #tpu.memory_space<hbm>>
        tpu.enqueue_dma source(%dma_start3A_97 : memref<128xi32, #tpu.memory_space<hbm>>) target(%arg7 : memref<128xi32, #tpu.memory_space<vmem>>) target_semaphore(%arg11 : memref<!tpu.dma_semaphore, #tpu.memory_space<semaphore_mem>>)
      } else {
      }
      %lt3A_86 = arith.constant 39 : i32
      %lt3A_87 = arith.cmpi slt, %add3A_67, %lt3A_86 : i32
      %convert_element_type3A_88 = arith.extui %lt3A_87 : i1 to i32
      %cond3A_89 = arith.constant 0 : i32
      %cond3A_90 = arith.cmpi ne, %convert_element_type3A_88, %cond3A_89 : i32
      scf.if %cond3A_90 {
        %dma_wait3A_91 = arith.constant 0 : i32
        %dma_wait3A_92 = tpu.memref_slice %arg3[%dma_wait3A_91] : memref<655360xi32, #tpu.memory_space<hbm>> -> memref<128xi32, #tpu.memory_space<hbm>>
        %dma_wait3A_93 = arith.constant 0 : i32
        %dma_wait3A_94 = tpu.memref_slice %arg3[%dma_wait3A_93] : memref<655360xi32, #tpu.memory_space<hbm>> -> memref<128xi32, #tpu.memory_space<hbm>>
        tpu.wait_dma2 semaphore(%arg10 : memref<!tpu.dma_semaphore, #tpu.memory_space<semaphore_mem>>) src(%dma_wait3A_94 : memref<128xi32, #tpu.memory_space<hbm>>) dst(%arg6 : memref<128xi32, #tpu.memory_space<vmem>>)
        %ge3A = arith.constant 1 : i32
        %ge3A_95 = arith.cmpi sge, %add3A_67, %ge3A : i32
        %convert_element_type3A_96 = arith.extui %ge3A_95 : i1 to i32
        %cond3A_97 = arith.constant 0 : i32
        %cond3A_98 = arith.cmpi ne, %convert_element_type3A_96, %cond3A_97 : i32
        scf.if %cond3A_98 {
          %dma_wait3A_104 = arith.constant 0 : i32
          %dma_wait3A_105 = arith.constant 0 : i32
          %dma_wait3A_106 = tpu.memref_slice %arg4[%dma_wait3A_104, %dma_wait3A_105] : memref<163840x128xf32, #tpu.memory_space<hbm>> -> memref<128x128xf32, #tpu.memory_space<hbm>>
          %dma_wait3A_107 = arith.constant 0 : i32
          %dma_wait3A_108 = arith.constant 0 : i32
          %dma_wait3A_109 = tpu.memref_slice %arg4[%dma_wait3A_107, %dma_wait3A_108] : memref<163840x128xf32, #tpu.memory_space<hbm>> -> memref<128x128xf32, #tpu.memory_space<hbm>>
          tpu.wait_dma2 semaphore(%arg14 : memref<!tpu.dma_semaphore, #tpu.memory_space<semaphore_mem>>) src(%arg8 : memref<128x128xf32, #tpu.memory_space<vmem>>) dst(%dma_wait3A_109 : memref<128x128xf32, #tpu.memory_space<hbm>>)
        } else {
        }
        %add3A_99 = arith.constant 1 : i32
        %add3A_100 = arith.addi %add3A_67, %add3A_99 : i32
        %dma_start3A_101 = arith.constant 0 : i32
        %dma_start3A_102 = arith.constant 0 : i32
        %dma_start3A_103 = tpu.memref_slice %arg5[%dma_start3A_101, %dma_start3A_102] : memref<10000x128xf32, #tpu.memory_space<vmem_shared>> -> memref<10000x128xf32, #tpu.memory_space<vmem_shared>>
        tpu.enqueue_indirect_dma source(%dma_start3A_103 : memref<10000x128xf32, #tpu.memory_space<vmem_shared>>) target(%arg8 : memref<128x128xf32, #tpu.memory_space<vmem>>) offsets(%arg6 : memref<128xi32, #tpu.memory_space<vmem>>) semaphore(%arg12 : memref<!tpu.dma_semaphore, #tpu.memory_space<semaphore_mem>>)
      } else {
      }
    }
    %scan3A_24 = arith.constant 20 : i32
    %dma_wait3A_25 = arith.constant 0 : i32
    %dma_wait3A_26 = arith.constant 0 : i32
    %dma_wait3A_27 = tpu.memref_slice %arg4[%dma_wait3A_25, %dma_wait3A_26] : memref<163840x128xf32, #tpu.memory_space<hbm>> -> memref<128x128xf32, #tpu.memory_space<hbm>>
    %dma_wait3A_28 = arith.constant 0 : i32
    %dma_wait3A_29 = arith.constant 0 : i32
    %dma_wait3A_30 = tpu.memref_slice %arg4[%dma_wait3A_28, %dma_wait3A_29] : memref<163840x128xf32, #tpu.memory_space<hbm>> -> memref<128x128xf32, #tpu.memory_space<hbm>>
    tpu.wait_dma2 semaphore(%arg14 : memref<!tpu.dma_semaphore, #tpu.memory_space<semaphore_mem>>) src(%arg8 : memref<128x128xf32, #tpu.memory_space<vmem>>) dst(%dma_wait3A_30 : memref<128x128xf32, #tpu.memory_space<hbm>>)
    %dma_wait3A_31 = arith.constant 0 : i32
    %dma_wait3A_32 = arith.constant 0 : i32
    %dma_wait3A_33 = tpu.memref_slice %arg4[%dma_wait3A_31, %dma_wait3A_32] : memref<163840x128xf32, #tpu.memory_space<hbm>> -> memref<128x128xf32, #tpu.memory_space<hbm>>
    %dma_wait3A_34 = arith.constant 0 : i32
    %dma_wait3A_35 = arith.constant 0 : i32
    %dma_wait3A_36 = tpu.memref_slice %arg4[%dma_wait3A_34, %dma_wait3A_35] : memref<163840x128xf32, #tpu.memory_space<hbm>> -> memref<128x128xf32, #tpu.memory_space<hbm>>
    tpu.wait_dma2 semaphore(%arg15 : memref<!tpu.dma_semaphore, #tpu.memory_space<semaphore_mem>>) src(%arg9 : memref<128x128xf32, #tpu.memory_space<vmem>>) dst(%dma_wait3A_36 : memref<128x128xf32, #tpu.memory_space<hbm>>)
    return
  }
}

#map = affine_map<(d0, d1) -> (0, 0)>
#map1 = affine_map<(d0, d1) -> (0)>
module attributes {stable_mosaic.version = 14 : i64} {
  func.func @_sc_gather(%arg0: i32, %arg1: i32, %arg2: memref<10000x128xf32, #tpu.memory_space<hbm>>, %arg3: memref<655360xi32, #tpu.memory_space<hbm>>, %arg4: memref<163840x128xf32, #tpu.memory_space<hbm>>, %arg5: memref<10000x128xf32, #tpu.memory_space<vmem_shared>>, %arg6: memref<128xi32, #tpu.memory_space<vmem>>, %arg7: memref<128xi32, #tpu.memory_space<vmem>>, %arg8: memref<128x128xf32, #tpu.memory_space<vmem>>, %arg9: memref<128x128xf32, #tpu.memory_space<vmem>>, %arg10: memref<!tpu.dma_semaphore, #tpu.memory_space<semaphore_mem>>, %arg11: memref<!tpu.dma_semaphore, #tpu.memory_space<semaphore_mem>>, %arg12: memref<!tpu.dma_semaphore, #tpu.memory_space<semaphore_mem>>, %arg13: memref<!tpu.dma_semaphore, #tpu.memory_space<semaphore_mem>>, %arg14: memref<!tpu.dma_semaphore, #tpu.memory_space<semaphore_mem>>, %arg15: memref<!tpu.dma_semaphore, #tpu.memory_space<semaphore_mem>>) attributes {dimension_semantics = [#tpu.dimension_semantics<core_parallel>, #tpu.dimension_semantics<subcore_parallel>], iteration_bounds = array<i64: 2, 16>, scalar_prefetch = 0 : i64, scratch_operands = 11 : i64, tpu.core_type = #tpu.core_type<sc_vector_subcore>, window_params = [{transform_indices = #map}, {transform_indices = #map1}, {transform_indices = #map}]} {
    %mul3A = arith.constant 2 : i32
    %mul3A_0 = arith.muli %arg1, %mul3A : i32
    %add3A = arith.addi %mul3A_0, %arg0 : i32
    %mul3A_1 = arith.constant 5120 : i32
    %mul3A_2 = arith.muli %add3A, %mul3A_1 : i32
    %add3A_3 = arith.constant 0 : i32
    %add3A_4 = arith.addi %add3A_3, %mul3A_2 : i32
    %eq3A = arith.constant 0 : i32
    %eq3A_5 = arith.cmpi eq, %arg1, %eq3A : i32
    %convert_element_type3A = arith.extui %eq3A_5 : i1 to i32
    %cond3A = arith.constant 0 : i32
    %cond3A_6 = arith.cmpi ne, %convert_element_type3A, %cond3A : i32
    scf.if %cond3A_6 {
      "tpu.region"() ({
        %run_scoped3A = tpu.sem_alloc : memref<!tpu.dma_semaphore, #tpu.memory_space<semaphore_mem>>
        tpu.enqueue_dma source(%arg2 : memref<10000x128xf32, #tpu.memory_space<hbm>>) target(%arg5 : memref<10000x128xf32, #tpu.memory_space<vmem_shared>>) target_semaphore(%run_scoped3A : memref<!tpu.dma_semaphore, #tpu.memory_space<semaphore_mem>>)
        tpu.wait_dma2 semaphore(%run_scoped3A : memref<!tpu.dma_semaphore, #tpu.memory_space<semaphore_mem>>) src(%arg2 : memref<10000x128xf32, #tpu.memory_space<hbm>>) dst(%arg5 : memref<10000x128xf32, #tpu.memory_space<vmem_shared>>)
        tpu.yield
      }) : () -> ()
    } else {
    }
    %barrier3A = arith.constant 0 : index
    tpu.barrier barrier_id(%barrier3A)
    %add3A_7 = arith.constant 0 : i32
    %add3A_8 = arith.addi %add3A_4, %add3A_7 : i32
    %dma_start3A = tpu.memref_slice %arg3[%add3A_8] : memref<655360xi32, #tpu.memory_space<hbm>> -> memref<128xi32, #tpu.memory_space<hbm>>
    %dma_start3A_9 = tpu.memref_slice %arg3[%add3A_8] : memref<655360xi32, #tpu.memory_space<hbm>> -> memref<128xi32, #tpu.memory_space<hbm>>
    tpu.enqueue_dma source(%dma_start3A_9 : memref<128xi32, #tpu.memory_space<hbm>>) target(%arg6 : memref<128xi32, #tpu.memory_space<vmem>>) target_semaphore(%arg10 : memref<!tpu.dma_semaphore, #tpu.memory_space<semaphore_mem>>)
    %add3A_10 = arith.constant 128 : i32
    %add3A_11 = arith.addi %add3A_4, %add3A_10 : i32
    %dma_start3A_12 = tpu.memref_slice %arg3[%add3A_11] : memref<655360xi32, #tpu.memory_space<hbm>> -> memref<128xi32, #tpu.memory_space<hbm>>
    %dma_start3A_13 = tpu.memref_slice %arg3[%add3A_11] : memref<655360xi32, #tpu.memory_space<hbm>> -> memref<128xi32, #tpu.memory_space<hbm>>
    tpu.enqueue_dma source(%dma_start3A_13 : memref<128xi32, #tpu.memory_space<hbm>>) target(%arg7 : memref<128xi32, #tpu.memory_space<vmem>>) target_semaphore(%arg11 : memref<!tpu.dma_semaphore, #tpu.memory_space<semaphore_mem>>)
    %dma_wait3A = arith.constant 0 : i32
    %dma_wait3A_14 = tpu.memref_slice %arg3[%dma_wait3A] : memref<655360xi32, #tpu.memory_space<hbm>> -> memref<128xi32, #tpu.memory_space<hbm>>
    %dma_wait3A_15 = arith.constant 0 : i32
    %dma_wait3A_16 = tpu.memref_slice %arg3[%dma_wait3A_15] : memref<655360xi32, #tpu.memory_space<hbm>> -> memref<128xi32, #tpu.memory_space<hbm>>
    tpu.wait_dma2 semaphore(%arg10 : memref<!tpu.dma_semaphore, #tpu.memory_space<semaphore_mem>>) src(%dma_wait3A_16 : memref<128xi32, #tpu.memory_space<hbm>>) dst(%arg6 : memref<128xi32, #tpu.memory_space<vmem>>)
    %dma_start3A_17 = arith.constant 0 : i32
    %dma_start3A_18 = arith.constant 0 : i32
    %dma_start3A_19 = tpu.memref_slice %arg5[%dma_start3A_17, %dma_start3A_18] : memref<10000x128xf32, #tpu.memory_space<vmem_shared>> -> memref<10000x128xf32, #tpu.memory_space<vmem_shared>>
    tpu.enqueue_indirect_dma source(%dma_start3A_19 : memref<10000x128xf32, #tpu.memory_space<vmem_shared>>) target(%arg8 : memref<128x128xf32, #tpu.memory_space<vmem>>) offsets(%arg6 : memref<128xi32, #tpu.memory_space<vmem>>) semaphore(%arg12 : memref<!tpu.dma_semaphore, #tpu.memory_space<semaphore_mem>>)
    %scan3A = arith.constant 0 : i32
    %scan3A_20 = arith.constant 0 : i32
    %scan3A_21 = arith.constant 20 : i32
    %scan3A_22 = arith.addi %scan3A_20, %scan3A_21 : i32
    %scan3A_23 = arith.constant 1 : i32
    scf.for %scan3A_37 = %scan3A_20 to %scan3A_22 step %scan3A_23  : i32 {
      %mul3A_38 = arith.constant 2 : i32
      %mul3A_39 = arith.muli %scan3A_37, %mul3A_38 : i32
      %add3A_40 = arith.constant 0 : i32
      %add3A_41 = arith.addi %mul3A_39, %add3A_40 : i32
      %dma_wait3A_42 = arith.constant 0 : i32
      %dma_wait3A_43 = arith.constant 0 : i32
      %dma_wait3A_44 = tpu.memref_slice %arg4[%dma_wait3A_42, %dma_wait3A_43] : memref<163840x128xf32, #tpu.memory_space<hbm>> -> memref<128x128xf32, #tpu.memory_space<hbm>>
      %dma_wait3A_45 = arith.constant 0 : i32
      %dma_wait3A_46 = arith.constant 0 : i32
      %dma_wait3A_47 = tpu.memref_slice %arg4[%dma_wait3A_45, %dma_wait3A_46] : memref<163840x128xf32, #tpu.memory_space<hbm>> -> memref<128x128xf32, #tpu.memory_space<hbm>>
      tpu.wait_dma2 semaphore(%arg12 : memref<!tpu.dma_semaphore, #tpu.memory_space<semaphore_mem>>) src(%dma_wait3A_47 : memref<128x128xf32, #tpu.memory_space<hbm>>) dst(%arg8 : memref<128x128xf32, #tpu.memory_space<vmem>>)
      %mul3A_48 = arith.constant 128 : i32
      %mul3A_49 = arith.muli %add3A_41, %mul3A_48 : i32
      %add3A_50 = arith.addi %mul3A_2, %mul3A_49 : i32
      %dma_start3A_51 = arith.constant 0 : i32
      %dma_start3A_52 = tpu.memref_slice %arg4[%add3A_50, %dma_start3A_51] : memref<163840x128xf32, #tpu.memory_space<hbm>> -> memref<128x128xf32, #tpu.memory_space<hbm>>
      %dma_start3A_53 = arith.constant 0 : i32
      %dma_start3A_54 = tpu.memref_slice %arg4[%add3A_50, %dma_start3A_53] : memref<163840x128xf32, #tpu.memory_space<hbm>> -> memref<128x128xf32, #tpu.memory_space<hbm>>
      tpu.enqueue_dma source(%arg8 : memref<128x128xf32, #tpu.memory_space<vmem>>) target(%dma_start3A_54 : memref<128x128xf32, #tpu.memory_space<hbm>>) target_semaphore(%arg14 : memref<!tpu.dma_semaphore, #tpu.memory_space<semaphore_mem>>)
      %lt3A = arith.constant 38 : i32
      %lt3A_55 = arith.cmpi slt, %add3A_41, %lt3A : i32
      %convert_element_type3A_56 = arith.extui %lt3A_55 : i1 to i32
      %cond3A_57 = arith.constant 0 : i32
      %cond3A_58 = arith.cmpi ne, %convert_element_type3A_56, %cond3A_57 : i32
      scf.if %cond3A_58 {
        %add3A_91 = arith.constant 2 : i32
        %add3A_92 = arith.addi %add3A_41, %add3A_91 : i32
        %mul3A_93 = arith.constant 128 : i32
        %mul3A_94 = arith.muli %add3A_92, %mul3A_93 : i32
        %add3A_95 = arith.addi %add3A_4, %mul3A_94 : i32
        %dma_start3A_96 = tpu.memref_slice %arg3[%add3A_95] : memref<655360xi32, #tpu.memory_space<hbm>> -> memref<128xi32, #tpu.memory_space<hbm>>
        %dma_start3A_97 = tpu.memref_slice %arg3[%add3A_95] : memref<655360xi32, #tpu.memory_space<hbm>> -> memref<128xi32, #tpu.memory_space<hbm>>
        tpu.enqueue_dma source(%dma_start3A_97 : memref<128xi32, #tpu.memory_space<hbm>>) target(%arg6 : memref<128xi32, #tpu.memory_space<vmem>>) target_semaphore(%arg10 : memref<!tpu.dma_semaphore, #tpu.memory_space<semaphore_mem>>)
      } else {
      }
      %lt3A_59 = arith.constant 39 : i32
      %lt3A_60 = arith.cmpi slt, %add3A_41, %lt3A_59 : i32
      %convert_element_type3A_61 = arith.extui %lt3A_60 : i1 to i32
      %cond3A_62 = arith.constant 0 : i32
      %cond3A_63 = arith.cmpi ne, %convert_element_type3A_61, %cond3A_62 : i32
      scf.if %cond3A_63 {
        %dma_wait3A_91 = arith.constant 0 : i32
        %dma_wait3A_92 = tpu.memref_slice %arg3[%dma_wait3A_91] : memref<655360xi32, #tpu.memory_space<hbm>> -> memref<128xi32, #tpu.memory_space<hbm>>
        %dma_wait3A_93 = arith.constant 0 : i32
        %dma_wait3A_94 = tpu.memref_slice %arg3[%dma_wait3A_93] : memref<655360xi32, #tpu.memory_space<hbm>> -> memref<128xi32, #tpu.memory_space<hbm>>
        tpu.wait_dma2 semaphore(%arg11 : memref<!tpu.dma_semaphore, #tpu.memory_space<semaphore_mem>>) src(%dma_wait3A_94 : memref<128xi32, #tpu.memory_space<hbm>>) dst(%arg7 : memref<128xi32, #tpu.memory_space<vmem>>)
        %ge3A = arith.constant 1 : i32
        %ge3A_95 = arith.cmpi sge, %add3A_41, %ge3A : i32
        %convert_element_type3A_96 = arith.extui %ge3A_95 : i1 to i32
        %cond3A_97 = arith.constant 0 : i32
        %cond3A_98 = arith.cmpi ne, %convert_element_type3A_96, %cond3A_97 : i32
        scf.if %cond3A_98 {
          %dma_wait3A_104 = arith.constant 0 : i32
          %dma_wait3A_105 = arith.constant 0 : i32
          %dma_wait3A_106 = tpu.memref_slice %arg4[%dma_wait3A_104, %dma_wait3A_105] : memref<163840x128xf32, #tpu.memory_space<hbm>> -> memref<128x128xf32, #tpu.memory_space<hbm>>
          %dma_wait3A_107 = arith.constant 0 : i32
          %dma_wait3A_108 = arith.constant 0 : i32
          %dma_wait3A_109 = tpu.memref_slice %arg4[%dma_wait3A_107, %dma_wait3A_108] : memref<163840x128xf32, #tpu.memory_space<hbm>> -> memref<128x128xf32, #tpu.memory_space<hbm>>
          tpu.wait_dma2 semaphore(%arg15 : memref<!tpu.dma_semaphore, #tpu.memory_space<semaphore_mem>>) src(%arg9 : memref<128x128xf32, #tpu.memory_space<vmem>>) dst(%dma_wait3A_109 : memref<128x128xf32, #tpu.memory_space<hbm>>)
        } else {
        }
        %add3A_99 = arith.constant 1 : i32
        %add3A_100 = arith.addi %add3A_41, %add3A_99 : i32
        %dma_start3A_101 = arith.constant 0 : i32
        %dma_start3A_102 = arith.constant 0 : i32
        %dma_start3A_103 = tpu.memref_slice %arg5[%dma_start3A_101, %dma_start3A_102] : memref<10000x128xf32, #tpu.memory_space<vmem_shared>> -> memref<10000x128xf32, #tpu.memory_space<vmem_shared>>
        tpu.enqueue_indirect_dma source(%dma_start3A_103 : memref<10000x128xf32, #tpu.memory_space<vmem_shared>>) target(%arg9 : memref<128x128xf32, #tpu.memory_space<vmem>>) offsets(%arg7 : memref<128xi32, #tpu.memory_space<vmem>>) semaphore(%arg13 : memref<!tpu.dma_semaphore, #tpu.memory_space<semaphore_mem>>)
      } else {
      }
      %mul3A_64 = arith.constant 2 : i32
      %mul3A_65 = arith.muli %scan3A_37, %mul3A_64 : i32
      %add3A_66 = arith.constant 1 : i32
      %add3A_67 = arith.addi %mul3A_65, %add3A_66 : i32
      %dma_wait3A_68 = arith.constant 0 : i32
      %dma_wait3A_69 = arith.constant 0 : i32
      %dma_wait3A_70 = tpu.memref_slice %arg4[%dma_wait3A_68, %dma_wait3A_69] : memref<163840x128xf32, #tpu.memory_space<hbm>> -> memref<128x128xf32, #tpu.memory_space<hbm>>
      %dma_wait3A_71 = arith.constant 0 : i32
      %dma_wait3A_72 = arith.constant 0 : i32
      %dma_wait3A_73 = tpu.memref_slice %arg4[%dma_wait3A_71, %dma_wait3A_72] : memref<163840x128xf32, #tpu.memory_space<hbm>> -> memref<128x128xf32, #tpu.memory_space<hbm>>
      tpu.wait_dma2 semaphore(%arg13 : memref<!tpu.dma_semaphore, #tpu.memory_space<semaphore_mem>>) src(%dma_wait3A_73 : memref<128x128xf32, #tpu.memory_space<hbm>>) dst(%arg9 : memref<128x128xf32, #tpu.memory_space<vmem>>)
      %mul3A_74 = arith.constant 128 : i32
      %mul3A_75 = arith.muli %add3A_67, %mul3A_74 : i32
      %add3A_76 = arith.addi %mul3A_2, %mul3A_75 : i32
      %dma_start3A_77 = arith.constant 0 : i32
      %dma_start3A_78 = tpu.memref_slice %arg4[%add3A_76, %dma_start3A_77] : memref<163840x128xf32, #tpu.memory_space<hbm>> -> memref<128x128xf32, #tpu.memory_space<hbm>>
      %dma_start3A_79 = arith.constant 0 : i32
      %dma_start3A_80 = tpu.memref_slice %arg4[%add3A_76, %dma_start3A_79] : memref<163840x128xf32, #tpu.memory_space<hbm>> -> memref<128x128xf32, #tpu.memory_space<hbm>>
      tpu.enqueue_dma source(%arg9 : memref<128x128xf32, #tpu.memory_space<vmem>>) target(%dma_start3A_80 : memref<128x128xf32, #tpu.memory_space<hbm>>) target_semaphore(%arg15 : memref<!tpu.dma_semaphore, #tpu.memory_space<semaphore_mem>>)
      %lt3A_81 = arith.constant 38 : i32
      %lt3A_82 = arith.cmpi slt, %add3A_67, %lt3A_81 : i32
      %convert_element_type3A_83 = arith.extui %lt3A_82 : i1 to i32
      %cond3A_84 = arith.constant 0 : i32
      %cond3A_85 = arith.cmpi ne, %convert_element_type3A_83, %cond3A_84 : i32
      scf.if %cond3A_85 {
        %add3A_91 = arith.constant 2 : i32
        %add3A_92 = arith.addi %add3A_67, %add3A_91 : i32
        %mul3A_93 = arith.constant 128 : i32
        %mul3A_94 = arith.muli %add3A_92, %mul3A_93 : i32
        %add3A_95 = arith.addi %add3A_4, %mul3A_94 : i32
        %dma_start3A_96 = tpu.memref_slice %arg3[%add3A_95] : memref<655360xi32, #tpu.memory_space<hbm>> -> memref<128xi32, #tpu.memory_space<hbm>>
        %dma_start3A_97 = tpu.memref_slice %arg3[%add3A_95] : memref<655360xi32, #tpu.memory_space<hbm>> -> memref<128xi32, #tpu.memory_space<hbm>>
        tpu.enqueue_dma source(%dma_start3A_97 : memref<128xi32, #tpu.memory_space<hbm>>) target(%arg7 : memref<128xi32, #tpu.memory_space<vmem>>) target_semaphore(%arg11 : memref<!tpu.dma_semaphore, #tpu.memory_space<semaphore_mem>>)
      } else {
      }
      %lt3A_86 = arith.constant 39 : i32
      %lt3A_87 = arith.cmpi slt, %add3A_67, %lt3A_86 : i32
      %convert_element_type3A_88 = arith.extui %lt3A_87 : i1 to i32
      %cond3A_89 = arith.constant 0 : i32
      %cond3A_90 = arith.cmpi ne, %convert_element_type3A_88, %cond3A_89 : i32
      scf.if %cond3A_90 {
        %dma_wait3A_91 = arith.constant 0 : i32
        %dma_wait3A_92 = tpu.memref_slice %arg3[%dma_wait3A_91] : memref<655360xi32, #tpu.memory_space<hbm>> -> memref<128xi32, #tpu.memory_space<hbm>>
        %dma_wait3A_93 = arith.constant 0 : i32
        %dma_wait3A_94 = tpu.memref_slice %arg3[%dma_wait3A_93] : memref<655360xi32, #tpu.memory_space<hbm>> -> memref<128xi32, #tpu.memory_space<hbm>>
        tpu.wait_dma2 semaphore(%arg10 : memref<!tpu.dma_semaphore, #tpu.memory_space<semaphore_mem>>) src(%dma_wait3A_94 : memref<128xi32, #tpu.memory_space<hbm>>) dst(%arg6 : memref<128xi32, #tpu.memory_space<vmem>>)
        %ge3A = arith.constant 1 : i32
        %ge3A_95 = arith.cmpi sge, %add3A_67, %ge3A : i32
        %convert_element_type3A_96 = arith.extui %ge3A_95 : i1 to i32
        %cond3A_97 = arith.constant 0 : i32
        %cond3A_98 = arith.cmpi ne, %convert_element_type3A_96, %cond3A_97 : i32
        scf.if %cond3A_98 {
          %dma_wait3A_104 = arith.constant 0 : i32
          %dma_wait3A_105 = arith.constant 0 : i32
          %dma_wait3A_106 = tpu.memref_slice %arg4[%dma_wait3A_104, %dma_wait3A_105] : memref<163840x128xf32, #tpu.memory_space<hbm>> -> memref<128x128xf32, #tpu.memory_space<hbm>>
          %dma_wait3A_107 = arith.constant 0 : i32
          %dma_wait3A_108 = arith.constant 0 : i32
          %dma_wait3A_109 = tpu.memref_slice %arg4[%dma_wait3A_107, %dma_wait3A_108] : memref<163840x128xf32, #tpu.memory_space<hbm>> -> memref<128x128xf32, #tpu.memory_space<hbm>>
          tpu.wait_dma2 semaphore(%arg14 : memref<!tpu.dma_semaphore, #tpu.memory_space<semaphore_mem>>) src(%arg8 : memref<128x128xf32, #tpu.memory_space<vmem>>) dst(%dma_wait3A_109 : memref<128x128xf32, #tpu.memory_space<hbm>>)
        } else {
        }
        %add3A_99 = arith.constant 1 : i32
        %add3A_100 = arith.addi %add3A_67, %add3A_99 : i32
        %dma_start3A_101 = arith.constant 0 : i32
        %dma_start3A_102 = arith.constant 0 : i32
        %dma_start3A_103 = tpu.memref_slice %arg5[%dma_start3A_101, %dma_start3A_102] : memref<10000x128xf32, #tpu.memory_space<vmem_shared>> -> memref<10000x128xf32, #tpu.memory_space<vmem_shared>>
        tpu.enqueue_indirect_dma source(%dma_start3A_103 : memref<10000x128xf32, #tpu.memory_space<vmem_shared>>) target(%arg8 : memref<128x128xf32, #tpu.memory_space<vmem>>) offsets(%arg6 : memref<128xi32, #tpu.memory_space<vmem>>) semaphore(%arg12 : memref<!tpu.dma_semaphore, #tpu.memory_space<semaphore_mem>>)
      } else {
      }
    }
    %scan3A_24 = arith.constant 20 : i32
    %dma_wait3A_25 = arith.constant 0 : i32
    %dma_wait3A_26 = arith.constant 0 : i32
    %dma_wait3A_27 = tpu.memref_slice %arg4[%dma_wait3A_25, %dma_wait3A_26] : memref<163840x128xf32, #tpu.memory_space<hbm>> -> memref<128x128xf32, #tpu.memory_space<hbm>>
    %dma_wait3A_28 = arith.constant 0 : i32
    %dma_wait3A_29 = arith.constant 0 : i32
    %dma_wait3A_30 = tpu.memref_slice %arg4[%dma_wait3A_28, %dma_wait3A_29] : memref<163840x128xf32, #tpu.memory_space<hbm>> -> memref<128x128xf32, #tpu.memory_space<hbm>>
    tpu.wait_dma2 semaphore(%arg14 : memref<!tpu.dma_semaphore, #tpu.memory_space<semaphore_mem>>) src(%arg8 : memref<128x128xf32, #tpu.memory_space<vmem>>) dst(%dma_wait3A_30 : memref<128x128xf32, #tpu.memory_space<hbm>>)
    %dma_wait3A_31 = arith.constant 0 : i32
    %dma_wait3A_32 = arith.constant 0 : i32
    %dma_wait3A_33 = tpu.memref_slice %arg4[%dma_wait3A_31, %dma_wait3A_32] : memref<163840x128xf32, #tpu.memory_space<hbm>> -> memref<128x128xf32, #tpu.memory_space<hbm>>
    %dma_wait3A_34 = arith.constant 0 : i32
    %dma_wait3A_35 = arith.constant 0 : i32
    %dma_wait3A_36 = tpu.memref_slice %arg4[%dma_wait3A_34, %dma_wait3A_35] : memref<163840x128xf32, #tpu.memory_space<hbm>> -> memref<128x128xf32, #tpu.memory_space<hbm>>
    tpu.wait_dma2 semaphore(%arg15 : memref<!tpu.dma_semaphore, #tpu.memory_space<semaphore_mem>>) src(%arg9 : memref<128x128xf32, #tpu.memory_space<vmem>>) dst(%dma_wait3A_36 : memref<128x128xf32, #tpu.memory_space<hbm>>)
    return
  }
}

module attributes {stable_mosaic.version = 14 : i64} {
  func.func @_score_body(%arg0: i32, %arg1: memref<16384x128xf32, #tpu.memory_space<vmem>>, %arg2: memref<8192x128xf32, #tpu.memory_space<vmem>>, %arg3: memref<1x1xf32, #tpu.memory_space<smem>>, %arg4: memref<8192xf32, #tpu.memory_space<vmem>>) attributes {dimension_semantics = [#tpu.dimension_semantics<arbitrary>], iteration_bounds = array<i64: 10>, scalar_prefetch = 0 : i64, scratch_operands = 0 : i64, tpu.core_type = #tpu.core_type<tc>, window_params = [{transform_indices = @transform_0, window_bounds = array<i64: 16384, 128>}, {transform_indices = @transform_1, window_bounds = array<i64: 8192, 128>}, {transform_indices = @transform_2, window_bounds = array<i64: 1, 1>}, {transform_indices = @transform_3, window_bounds = array<i64: 8192>}]} {
    %get3A = arith.constant 0 : index
    %get3A_0 = arith.constant 0 : index
    %get3A_1 = vector.load %arg1[%get3A, %get3A_0] : memref<16384x128xf32, #tpu.memory_space<vmem>>, vector<8192x128xf32>
    %get3A_2 = arith.constant 8192 : index
    %get3A_3 = arith.constant 0 : index
    %get3A_4 = vector.load %arg1[%get3A_2, %get3A_3] : memref<16384x128xf32, #tpu.memory_space<vmem>>, vector<8192x128xf32>
    %get3A_5 = arith.constant 0 : index
    %get3A_6 = arith.constant 0 : index
    %get3A_7 = vector.load %arg2[%get3A_5, %get3A_6] : memref<8192x128xf32, #tpu.memory_space<vmem>>, vector<8192x128xf32>
    %add3A = arith.addf %get3A_1, %get3A_7 : vector<8192x128xf32>
    %sub3A = arith.subf %add3A, %get3A_4 : vector<8192x128xf32>
    %mul3A = arith.constant 28.7231331 : f32
    %mul3A_8 = vector.broadcast %mul3A : f32 to vector<8192x128xf32>
    %mul3A_9 = arith.mulf %sub3A, %mul3A_8 : vector<8192x128xf32>
    %mul3A_10 = arith.constant 0.318309873 : f32
    %mul3A_11 = vector.broadcast %mul3A_10 : f32 to vector<8192x128xf32>
    %mul3A_12 = arith.mulf %mul3A_9, %mul3A_11 : vector<8192x128xf32>
    %round3A = math.roundeven %mul3A_12 : vector<8192x128xf32>
    %mul3A_13 = arith.constant 3.140625 : f32
    %mul3A_14 = vector.broadcast %mul3A_13 : f32 to vector<8192x128xf32>
    %mul3A_15 = arith.mulf %round3A, %mul3A_14 : vector<8192x128xf32>
    %sub3A_16 = arith.subf %mul3A_9, %mul3A_15 : vector<8192x128xf32>
    %mul3A_17 = arith.constant 9.67653584E-4 : f32
    %mul3A_18 = vector.broadcast %mul3A_17 : f32 to vector<8192x128xf32>
    %mul3A_19 = arith.mulf %round3A, %mul3A_18 : vector<8192x128xf32>
    %sub3A_20 = arith.subf %sub3A_16, %mul3A_19 : vector<8192x128xf32>
    %mul3A_21 = arith.mulf %sub3A_20, %sub3A_20 : vector<8192x128xf32>
    %mul3A_22 = arith.constant 0.00768981269 : f32
    %mul3A_23 = vector.broadcast %mul3A_22 : f32 to vector<8192x128xf32>
    %mul3A_24 = arith.mulf %mul3A_23, %mul3A_21 : vector<8192x128xf32>
    %add3A_25 = arith.constant -0.166143909 : f32
    %add3A_26 = vector.broadcast %add3A_25 : f32 to vector<8192x128xf32>
    %add3A_27 = arith.addf %mul3A_24, %add3A_26 : vector<8192x128xf32>
    %mul3A_28 = arith.mulf %add3A_27, %mul3A_21 : vector<8192x128xf32>
    %add3A_29 = arith.constant 0.999938964 : f32
    %add3A_30 = vector.broadcast %add3A_29 : f32 to vector<8192x128xf32>
    %add3A_31 = arith.addf %mul3A_28, %add3A_30 : vector<8192x128xf32>
    %abs3A = math.absf %sub3A_20 : vector<8192x128xf32>
    %mul3A_32 = arith.mulf %abs3A, %add3A_31 : vector<8192x128xf32>
    %reduce_sum3A = arith.constant dense<0.000000e+00> : vector<8192xf32>
    %reduce_sum3A_33 = vector.multi_reduction <add>, %mul3A_32, %reduce_sum3A [1] : vector<8192x128xf32> to vector<8192xf32>
    %sub3A_34 = arith.constant 1.200000e+01 : f32
    %sub3A_35 = vector.broadcast %sub3A_34 : f32 to vector<8192xf32>
    %sub3A_36 = arith.subf %sub3A_35, %reduce_sum3A_33 : vector<8192xf32>
    %get3A_37 = arith.constant 0 : index
    %get3A_38 = arith.constant 0 : index
    %get3A_39 = memref.load %arg3[%get3A_37, %get3A_38] : memref<1x1xf32, #tpu.memory_space<smem>>
    %mul3A_40 = vector.broadcast %get3A_39 : f32 to vector<8192xf32>
    %mul3A_41 = arith.mulf %sub3A_36, %mul3A_40 : vector<8192xf32>
    %swap3A = arith.constant 0 : index
    %swap3A_42 = vector.load %arg4[%swap3A] : memref<8192xf32, #tpu.memory_space<vmem>>, vector<8192xf32>
    tpu.vector_store %arg4[%swap3A], %mul3A_41 {strides = array<i32>} : memref<8192xf32, #tpu.memory_space<vmem>>, vector<8192xf32>,
    return
  }
  func.func @transform_0(%arg0: i32) -> (i32, i32) {
    %c0_i32 = arith.constant 0 : i32
    %c0_i32_0 = arith.constant 0 : i32
    return %arg0, %c0_i32 : i32, i32
  }
  func.func @transform_1(%arg0: i32) -> (i32, i32) {
    %add3A = arith.constant 30 : i32
    %add3A_0 = arith.addi %add3A, %arg0 : i32
    %min3A = arith.constant 39 : i32
    %min3A_1 = arith.minsi %add3A_0, %min3A : i32
    %c0_i32 = arith.constant 0 : i32
    %c0_i32_2 = arith.constant 0 : i32
    return %min3A_1, %c0_i32 : i32, i32
  }
  func.func @transform_2(%arg0: i32) -> (i32, i32) {
    %c0_i32 = arith.constant 0 : i32
    %c0_i32_0 = arith.constant 0 : i32
    %c0_i32_1 = arith.constant 0 : i32
    return %c0_i32, %c0_i32_0 : i32, i32
  }
  func.func @transform_3(%arg0: i32) -> i32 {
    %c0_i32 = arith.constant 0 : i32
    return %arg0 : i32
  }
}

module attributes {stable_mosaic.version = 14 : i64} {
  func.func @_score_body(%arg0: i32, %arg1: memref<16384x128xf32, #tpu.memory_space<vmem>>, %arg2: memref<8192x128xf32, #tpu.memory_space<vmem>>, %arg3: memref<1x1xf32, #tpu.memory_space<smem>>, %arg4: memref<8192xf32, #tpu.memory_space<vmem>>) attributes {dimension_semantics = [#tpu.dimension_semantics<arbitrary>], iteration_bounds = array<i64: 10>, scalar_prefetch = 0 : i64, scratch_operands = 0 : i64, tpu.core_type = #tpu.core_type<tc>, window_params = [{transform_indices = @transform_0, window_bounds = array<i64: 16384, 128>}, {transform_indices = @transform_1, window_bounds = array<i64: 8192, 128>}, {transform_indices = @transform_2, window_bounds = array<i64: 1, 1>}, {transform_indices = @transform_3, window_bounds = array<i64: 8192>}]} {
    %get3A = arith.constant 0 : index
    %get3A_0 = arith.constant 0 : index
    %get3A_1 = vector.load %arg1[%get3A, %get3A_0] : memref<16384x128xf32, #tpu.memory_space<vmem>>, vector<8192x128xf32>
    %get3A_2 = arith.constant 8192 : index
    %get3A_3 = arith.constant 0 : index
    %get3A_4 = vector.load %arg1[%get3A_2, %get3A_3] : memref<16384x128xf32, #tpu.memory_space<vmem>>, vector<8192x128xf32>
    %get3A_5 = arith.constant 0 : index
    %get3A_6 = arith.constant 0 : index
    %get3A_7 = vector.load %arg2[%get3A_5, %get3A_6] : memref<8192x128xf32, #tpu.memory_space<vmem>>, vector<8192x128xf32>
    %add3A = arith.addf %get3A_1, %get3A_7 : vector<8192x128xf32>
    %sub3A = arith.subf %add3A, %get3A_4 : vector<8192x128xf32>
    %mul3A = arith.constant 28.7231331 : f32
    %mul3A_8 = vector.broadcast %mul3A : f32 to vector<8192x128xf32>
    %mul3A_9 = arith.mulf %sub3A, %mul3A_8 : vector<8192x128xf32>
    %mul3A_10 = arith.constant 0.318309873 : f32
    %mul3A_11 = vector.broadcast %mul3A_10 : f32 to vector<8192x128xf32>
    %mul3A_12 = arith.mulf %mul3A_9, %mul3A_11 : vector<8192x128xf32>
    %round3A = math.roundeven %mul3A_12 : vector<8192x128xf32>
    %mul3A_13 = arith.constant 3.140625 : f32
    %mul3A_14 = vector.broadcast %mul3A_13 : f32 to vector<8192x128xf32>
    %mul3A_15 = arith.mulf %round3A, %mul3A_14 : vector<8192x128xf32>
    %sub3A_16 = arith.subf %mul3A_9, %mul3A_15 : vector<8192x128xf32>
    %mul3A_17 = arith.constant 9.67653584E-4 : f32
    %mul3A_18 = vector.broadcast %mul3A_17 : f32 to vector<8192x128xf32>
    %mul3A_19 = arith.mulf %round3A, %mul3A_18 : vector<8192x128xf32>
    %sub3A_20 = arith.subf %sub3A_16, %mul3A_19 : vector<8192x128xf32>
    %mul3A_21 = arith.mulf %sub3A_20, %sub3A_20 : vector<8192x128xf32>
    %mul3A_22 = arith.constant 0.00768981269 : f32
    %mul3A_23 = vector.broadcast %mul3A_22 : f32 to vector<8192x128xf32>
    %mul3A_24 = arith.mulf %mul3A_23, %mul3A_21 : vector<8192x128xf32>
    %add3A_25 = arith.constant -0.166143909 : f32
    %add3A_26 = vector.broadcast %add3A_25 : f32 to vector<8192x128xf32>
    %add3A_27 = arith.addf %mul3A_24, %add3A_26 : vector<8192x128xf32>
    %mul3A_28 = arith.mulf %add3A_27, %mul3A_21 : vector<8192x128xf32>
    %add3A_29 = arith.constant 0.999938964 : f32
    %add3A_30 = vector.broadcast %add3A_29 : f32 to vector<8192x128xf32>
    %add3A_31 = arith.addf %mul3A_28, %add3A_30 : vector<8192x128xf32>
    %abs3A = math.absf %sub3A_20 : vector<8192x128xf32>
    %mul3A_32 = arith.mulf %abs3A, %add3A_31 : vector<8192x128xf32>
    %reduce_sum3A = arith.constant dense<0.000000e+00> : vector<8192xf32>
    %reduce_sum3A_33 = vector.multi_reduction <add>, %mul3A_32, %reduce_sum3A [1] : vector<8192x128xf32> to vector<8192xf32>
    %sub3A_34 = arith.constant 1.200000e+01 : f32
    %sub3A_35 = vector.broadcast %sub3A_34 : f32 to vector<8192xf32>
    %sub3A_36 = arith.subf %sub3A_35, %reduce_sum3A_33 : vector<8192xf32>
    %get3A_37 = arith.constant 0 : index
    %get3A_38 = arith.constant 0 : index
    %get3A_39 = memref.load %arg3[%get3A_37, %get3A_38] : memref<1x1xf32, #tpu.memory_space<smem>>
    %mul3A_40 = vector.broadcast %get3A_39 : f32 to vector<8192xf32>
    %mul3A_41 = arith.mulf %sub3A_36, %mul3A_40 : vector<8192xf32>
    %swap3A = arith.constant 0 : index
    %swap3A_42 = vector.load %arg4[%swap3A] : memref<8192xf32, #tpu.memory_space<vmem>>, vector<8192xf32>
    tpu.vector_store %arg4[%swap3A], %mul3A_41 {strides = array<i32>} : memref<8192xf32, #tpu.memory_space<vmem>>, vector<8192xf32>,
    return
  }
  func.func @transform_0(%arg0: i32) -> (i32, i32) {
    %c0_i32 = arith.constant 0 : i32
    %c0_i32_0 = arith.constant 0 : i32
    return %arg0, %c0_i32 : i32, i32
  }
  func.func @transform_1(%arg0: i32) -> (i32, i32) {
    %add3A = arith.constant 20 : i32
    %add3A_0 = arith.addi %add3A, %arg0 : i32
    %min3A = arith.constant 39 : i32
    %min3A_1 = arith.minsi %add3A_0, %min3A : i32
    %c0_i32 = arith.constant 0 : i32
    %c0_i32_2 = arith.constant 0 : i32
    return %min3A_1, %c0_i32 : i32, i32
  }
  func.func @transform_2(%arg0: i32) -> (i32, i32) {
    %c0_i32 = arith.constant 0 : i32
    %c0_i32_0 = arith.constant 0 : i32
    %c0_i32_1 = arith.constant 0 : i32
    return %c0_i32, %c0_i32_0 : i32, i32
  }
  func.func @transform_3(%arg0: i32) -> i32 {
    %c0_i32 = arith.constant 0 : i32
    return %arg0 : i32
  }
}

module attributes {stable_mosaic.version = 14 : i64} {
  func.func @_score_body(%arg0: i32, %arg1: memref<16384x128xf32, #tpu.memory_space<vmem>>, %arg2: memref<8192x128xf32, #tpu.memory_space<vmem>>, %arg3: memref<1x1xf32, #tpu.memory_space<smem>>, %arg4: memref<8192xf32, #tpu.memory_space<vmem>>) attributes {dimension_semantics = [#tpu.dimension_semantics<arbitrary>], iteration_bounds = array<i64: 10>, scalar_prefetch = 0 : i64, scratch_operands = 0 : i64, tpu.core_type = #tpu.core_type<tc>, window_params = [{transform_indices = @transform_0, window_bounds = array<i64: 16384, 128>}, {transform_indices = @transform_1, window_bounds = array<i64: 8192, 128>}, {transform_indices = @transform_2, window_bounds = array<i64: 1, 1>}, {transform_indices = @transform_3, window_bounds = array<i64: 8192>}]} {
    %get3A = arith.constant 0 : index
    %get3A_0 = arith.constant 0 : index
    %get3A_1 = vector.load %arg1[%get3A, %get3A_0] : memref<16384x128xf32, #tpu.memory_space<vmem>>, vector<8192x128xf32>
    %get3A_2 = arith.constant 8192 : index
    %get3A_3 = arith.constant 0 : index
    %get3A_4 = vector.load %arg1[%get3A_2, %get3A_3] : memref<16384x128xf32, #tpu.memory_space<vmem>>, vector<8192x128xf32>
    %get3A_5 = arith.constant 0 : index
    %get3A_6 = arith.constant 0 : index
    %get3A_7 = vector.load %arg2[%get3A_5, %get3A_6] : memref<8192x128xf32, #tpu.memory_space<vmem>>, vector<8192x128xf32>
    %add3A = arith.addf %get3A_1, %get3A_7 : vector<8192x128xf32>
    %sub3A = arith.subf %add3A, %get3A_4 : vector<8192x128xf32>
    %mul3A = arith.constant 28.7231331 : f32
    %mul3A_8 = vector.broadcast %mul3A : f32 to vector<8192x128xf32>
    %mul3A_9 = arith.mulf %sub3A, %mul3A_8 : vector<8192x128xf32>
    %mul3A_10 = arith.constant 0.318309873 : f32
    %mul3A_11 = vector.broadcast %mul3A_10 : f32 to vector<8192x128xf32>
    %mul3A_12 = arith.mulf %mul3A_9, %mul3A_11 : vector<8192x128xf32>
    %round3A = math.roundeven %mul3A_12 : vector<8192x128xf32>
    %mul3A_13 = arith.constant 3.140625 : f32
    %mul3A_14 = vector.broadcast %mul3A_13 : f32 to vector<8192x128xf32>
    %mul3A_15 = arith.mulf %round3A, %mul3A_14 : vector<8192x128xf32>
    %sub3A_16 = arith.subf %mul3A_9, %mul3A_15 : vector<8192x128xf32>
    %mul3A_17 = arith.constant 9.67653584E-4 : f32
    %mul3A_18 = vector.broadcast %mul3A_17 : f32 to vector<8192x128xf32>
    %mul3A_19 = arith.mulf %round3A, %mul3A_18 : vector<8192x128xf32>
    %sub3A_20 = arith.subf %sub3A_16, %mul3A_19 : vector<8192x128xf32>
    %mul3A_21 = arith.mulf %sub3A_20, %sub3A_20 : vector<8192x128xf32>
    %mul3A_22 = arith.constant 0.00768981269 : f32
    %mul3A_23 = vector.broadcast %mul3A_22 : f32 to vector<8192x128xf32>
    %mul3A_24 = arith.mulf %mul3A_23, %mul3A_21 : vector<8192x128xf32>
    %add3A_25 = arith.constant -0.166143909 : f32
    %add3A_26 = vector.broadcast %add3A_25 : f32 to vector<8192x128xf32>
    %add3A_27 = arith.addf %mul3A_24, %add3A_26 : vector<8192x128xf32>
    %mul3A_28 = arith.mulf %add3A_27, %mul3A_21 : vector<8192x128xf32>
    %add3A_29 = arith.constant 0.999938964 : f32
    %add3A_30 = vector.broadcast %add3A_29 : f32 to vector<8192x128xf32>
    %add3A_31 = arith.addf %mul3A_28, %add3A_30 : vector<8192x128xf32>
    %abs3A = math.absf %sub3A_20 : vector<8192x128xf32>
    %mul3A_32 = arith.mulf %abs3A, %add3A_31 : vector<8192x128xf32>
    %reduce_sum3A = arith.constant dense<0.000000e+00> : vector<8192xf32>
    %reduce_sum3A_33 = vector.multi_reduction <add>, %mul3A_32, %reduce_sum3A [1] : vector<8192x128xf32> to vector<8192xf32>
    %sub3A_34 = arith.constant 1.200000e+01 : f32
    %sub3A_35 = vector.broadcast %sub3A_34 : f32 to vector<8192xf32>
    %sub3A_36 = arith.subf %sub3A_35, %reduce_sum3A_33 : vector<8192xf32>
    %get3A_37 = arith.constant 0 : index
    %get3A_38 = arith.constant 0 : index
    %get3A_39 = memref.load %arg3[%get3A_37, %get3A_38] : memref<1x1xf32, #tpu.memory_space<smem>>
    %mul3A_40 = vector.broadcast %get3A_39 : f32 to vector<8192xf32>
    %mul3A_41 = arith.mulf %sub3A_36, %mul3A_40 : vector<8192xf32>
    %swap3A = arith.constant 0 : index
    %swap3A_42 = vector.load %arg4[%swap3A] : memref<8192xf32, #tpu.memory_space<vmem>>, vector<8192xf32>
    tpu.vector_store %arg4[%swap3A], %mul3A_41 {strides = array<i32>} : memref<8192xf32, #tpu.memory_space<vmem>>, vector<8192xf32>,
    return
  }
  func.func @transform_0(%arg0: i32) -> (i32, i32) {
    %c0_i32 = arith.constant 0 : i32
    %c0_i32_0 = arith.constant 0 : i32
    return %arg0, %c0_i32 : i32, i32
  }
  func.func @transform_1(%arg0: i32) -> (i32, i32) {
    %add3A = arith.constant 10 : i32
    %add3A_0 = arith.addi %add3A, %arg0 : i32
    %min3A = arith.constant 39 : i32
    %min3A_1 = arith.minsi %add3A_0, %min3A : i32
    %c0_i32 = arith.constant 0 : i32
    %c0_i32_2 = arith.constant 0 : i32
    return %min3A_1, %c0_i32 : i32, i32
  }
  func.func @transform_2(%arg0: i32) -> (i32, i32) {
    %c0_i32 = arith.constant 0 : i32
    %c0_i32_0 = arith.constant 0 : i32
    %c0_i32_1 = arith.constant 0 : i32
    return %c0_i32, %c0_i32_0 : i32, i32
  }
  func.func @transform_3(%arg0: i32) -> i32 {
    %c0_i32 = arith.constant 0 : i32
    return %arg0 : i32
  }
}

module attributes {stable_mosaic.version = 14 : i64} {
  func.func @_score_body(%arg0: i32, %arg1: memref<16384x128xf32, #tpu.memory_space<vmem>>, %arg2: memref<8192x128xf32, #tpu.memory_space<vmem>>, %arg3: memref<1x1xf32, #tpu.memory_space<smem>>, %arg4: memref<8192xf32, #tpu.memory_space<vmem>>) attributes {dimension_semantics = [#tpu.dimension_semantics<arbitrary>], iteration_bounds = array<i64: 10>, scalar_prefetch = 0 : i64, scratch_operands = 0 : i64, tpu.core_type = #tpu.core_type<tc>, window_params = [{transform_indices = @transform_0, window_bounds = array<i64: 16384, 128>}, {transform_indices = @transform_1, window_bounds = array<i64: 8192, 128>}, {transform_indices = @transform_2, window_bounds = array<i64: 1, 1>}, {transform_indices = @transform_3, window_bounds = array<i64: 8192>}]} {
    %get3A = arith.constant 0 : index
    %get3A_0 = arith.constant 0 : index
    %get3A_1 = vector.load %arg1[%get3A, %get3A_0] : memref<16384x128xf32, #tpu.memory_space<vmem>>, vector<8192x128xf32>
    %get3A_2 = arith.constant 8192 : index
    %get3A_3 = arith.constant 0 : index
    %get3A_4 = vector.load %arg1[%get3A_2, %get3A_3] : memref<16384x128xf32, #tpu.memory_space<vmem>>, vector<8192x128xf32>
    %get3A_5 = arith.constant 0 : index
    %get3A_6 = arith.constant 0 : index
    %get3A_7 = vector.load %arg2[%get3A_5, %get3A_6] : memref<8192x128xf32, #tpu.memory_space<vmem>>, vector<8192x128xf32>
    %add3A = arith.addf %get3A_1, %get3A_7 : vector<8192x128xf32>
    %sub3A = arith.subf %add3A, %get3A_4 : vector<8192x128xf32>
    %mul3A = arith.constant 28.7231331 : f32
    %mul3A_8 = vector.broadcast %mul3A : f32 to vector<8192x128xf32>
    %mul3A_9 = arith.mulf %sub3A, %mul3A_8 : vector<8192x128xf32>
    %mul3A_10 = arith.constant 0.318309873 : f32
    %mul3A_11 = vector.broadcast %mul3A_10 : f32 to vector<8192x128xf32>
    %mul3A_12 = arith.mulf %mul3A_9, %mul3A_11 : vector<8192x128xf32>
    %round3A = math.roundeven %mul3A_12 : vector<8192x128xf32>
    %mul3A_13 = arith.constant 3.140625 : f32
    %mul3A_14 = vector.broadcast %mul3A_13 : f32 to vector<8192x128xf32>
    %mul3A_15 = arith.mulf %round3A, %mul3A_14 : vector<8192x128xf32>
    %sub3A_16 = arith.subf %mul3A_9, %mul3A_15 : vector<8192x128xf32>
    %mul3A_17 = arith.constant 9.67653584E-4 : f32
    %mul3A_18 = vector.broadcast %mul3A_17 : f32 to vector<8192x128xf32>
    %mul3A_19 = arith.mulf %round3A, %mul3A_18 : vector<8192x128xf32>
    %sub3A_20 = arith.subf %sub3A_16, %mul3A_19 : vector<8192x128xf32>
    %mul3A_21 = arith.mulf %sub3A_20, %sub3A_20 : vector<8192x128xf32>
    %mul3A_22 = arith.constant 0.00768981269 : f32
    %mul3A_23 = vector.broadcast %mul3A_22 : f32 to vector<8192x128xf32>
    %mul3A_24 = arith.mulf %mul3A_23, %mul3A_21 : vector<8192x128xf32>
    %add3A_25 = arith.constant -0.166143909 : f32
    %add3A_26 = vector.broadcast %add3A_25 : f32 to vector<8192x128xf32>
    %add3A_27 = arith.addf %mul3A_24, %add3A_26 : vector<8192x128xf32>
    %mul3A_28 = arith.mulf %add3A_27, %mul3A_21 : vector<8192x128xf32>
    %add3A_29 = arith.constant 0.999938964 : f32
    %add3A_30 = vector.broadcast %add3A_29 : f32 to vector<8192x128xf32>
    %add3A_31 = arith.addf %mul3A_28, %add3A_30 : vector<8192x128xf32>
    %abs3A = math.absf %sub3A_20 : vector<8192x128xf32>
    %mul3A_32 = arith.mulf %abs3A, %add3A_31 : vector<8192x128xf32>
    %reduce_sum3A = arith.constant dense<0.000000e+00> : vector<8192xf32>
    %reduce_sum3A_33 = vector.multi_reduction <add>, %mul3A_32, %reduce_sum3A [1] : vector<8192x128xf32> to vector<8192xf32>
    %sub3A_34 = arith.constant 1.200000e+01 : f32
    %sub3A_35 = vector.broadcast %sub3A_34 : f32 to vector<8192xf32>
    %sub3A_36 = arith.subf %sub3A_35, %reduce_sum3A_33 : vector<8192xf32>
    %get3A_37 = arith.constant 0 : index
    %get3A_38 = arith.constant 0 : index
    %get3A_39 = memref.load %arg3[%get3A_37, %get3A_38] : memref<1x1xf32, #tpu.memory_space<smem>>
    %mul3A_40 = vector.broadcast %get3A_39 : f32 to vector<8192xf32>
    %mul3A_41 = arith.mulf %sub3A_36, %mul3A_40 : vector<8192xf32>
    %swap3A = arith.constant 0 : index
    %swap3A_42 = vector.load %arg4[%swap3A] : memref<8192xf32, #tpu.memory_space<vmem>>, vector<8192xf32>
    tpu.vector_store %arg4[%swap3A], %mul3A_41 {strides = array<i32>} : memref<8192xf32, #tpu.memory_space<vmem>>, vector<8192xf32>,
    return
  }
  func.func @transform_0(%arg0: i32) -> (i32, i32) {
    %c0_i32 = arith.constant 0 : i32
    %c0_i32_0 = arith.constant 0 : i32
    return %arg0, %c0_i32 : i32, i32
  }
  func.func @transform_1(%arg0: i32) -> (i32, i32) {
    %add3A = arith.constant 0 : i32
    %add3A_0 = arith.addi %add3A, %arg0 : i32
    %min3A = arith.constant 39 : i32
    %min3A_1 = arith.minsi %add3A_0, %min3A : i32
    %c0_i32 = arith.constant 0 : i32
    %c0_i32_2 = arith.constant 0 : i32
    return %min3A_1, %c0_i32 : i32, i32
  }
  func.func @transform_2(%arg0: i32) -> (i32, i32) {
    %c0_i32 = arith.constant 0 : i32
    %c0_i32_0 = arith.constant 0 : i32
    %c0_i32_1 = arith.constant 0 : i32
    return %c0_i32, %c0_i32_0 : i32, i32
  }
  func.func @transform_3(%arg0: i32) -> i32 {
    %c0_i32 = arith.constant 0 : i32
    return %arg0 : i32
  }
}

</mosaic_0001>

<sc_bundles>
// kernel: kernel.10.cloned.1.call-start
scs
__scs_entry_jumppad:
0x0: {  	(pc) =	sbr.rel $0x88, $3  }
0x1: {  	(tag) =	ssettag $0x0;
	lr =	simm.s32 $0x1  }
0x2: {  	[smem:$0x3F9D] =	sst lr;
	_ =	strace $0xD0000000  }
0x3: {  	_ = 	snop  }
0x4: {  	_ = 	snop  }
0x5: {  	_ = 	snop  }
0x6: {  	_ = 	snop  }
0x7: {  	_ = 	snop  }
__scs_overlays_trampoline_lowered:
0x8: {  	[smem:$0x3FAC] =	sst s0  }
0x9: {  	[smem:$0x3FAD] =	sst s1  }
0xa: {  	[smem:$0x3FAE] =	sst s2  }
0xb: {  	[smem:$0x3FAF] =	sst s3  }
0xc: {  	[smem:$0x3FB0] =	sst s4  }
0xd: {  	[smem:$0x3FB1] =	sst s5  }
0xe: {  	[smem:$0x3FB2] =	sst s6  }
0xf: {  	[smem:$0x3FB3] =	sst s7  }
0x10: {  	[smem:$0x3FB4] =	sst s8  }
0x11: {  	[smem:$0x3FB5] =	sst s9;
	s0 =	simm.s32 @!p0 $0x0  }
0x12: {  	s1 =	sld [smem:$0x3F9B];
	s0 =	simm.s32 @p0 $0x1  }
0x13: {  	[smem:$0x3FB6] =	sst s0;
	s0 =	simm.s32 @!p1 $0x0  }
0x14: {  	s2 =	sld [smem:$0x3F9A];
	s0 =	simm.s32 @p1 $0x1  }
0x15: {  	[smem:$0x3FB7] =	sst s0;
	s0 =	simm.s32 @!p2 $0x0  }
0x16: {  	s3 =	sld [smem:$0x3FDB];
	s0 =	simm.s32 @p2 $0x1  }
0x17: {  	s4 =	simm.s32 $0x1BF5;
	[smem:$0x3FB9] =	sst s0  }
0x18: {  	s0 =	sld [smem:$0x3F9C];
	_ =	swait.ge [sflag:s4], $0x0  }
0x19: {  	s7 =	sld [smem:$0x3F9D]  }
0x1a: {  	s8 =	sadd.s32 $0xFFFFE003, lr  }
0x1b: {  	s9 =	sadd.s32 $0xFFFFFEF7, lr;
	s5 =	simm.s32 $0xFFFFFFFF;
	p2 =	slt.u32 s8, $0xFFFFF086  }
0x1c: {  	p1 =	slt.u32 s9, $0xF7A;
	s5 =	simm.s32 @!p2 $0x0  }
0x1d: {  	s5 =	simm.s32 @p1 $0x1;
	p0 =	seq.s32 s7, s2  }
0x1e: {  	s7 =	smul.u32 @!p0 $0xF7A, s2;
	p2 =	seq.s32 @!p0 s5, $0x0  }
0x1f: {  	s9 =	smul.u32 $0xF7A, s1;
	s8 =	simm.s32 @!p0 $0x1BF5;
	p2 =	por !p2, p0  }
0x20: {  	[sflag:s8] =	ssyncset.s32 @!p0 $0xFFFFF086;
	s6 =	sadd.s32 @!p0 s3, s7;
	s7 =	simm.s32 @!p0 $0x108  }
0x21: {  	s3 =	sadd.s32 s3, s9;
	s6 =	sadd.s32 @!p0 $0x88, s6;
	s7 =	simm.s32 @p2 $0x1082  }
0x22: {  	[simem:s7], [sflag:s8] =	dma.local @!p0 [hbm:s6], $0xF7A  }
0x23: {  	s9 =	sor.u32 $0xD0000000, s2;
	s6 =	simm.s32 $0x108;
	_ =	swait.ge @!p0 [sflag:s8], $0x0  }
0x24: {  	s3 =	sadd.s32 $0x88, s3;
	s6 =	simm.s32 @!p1 $0x1082;
	[sflag:s4] =	ssyncset.s32 $0xFFFFF086  }
0x25: {  	[simem:s6], [sflag:s4] =	dma.local [hbm:s3], $0xF7A  }
0x26: {  	[smem:$0x3F9D] =	sst s1;
	(tag) =	ssettag s2;
	_ =	strace s9  }
0x27: {  	s1 =	sld [smem:$0x3FAD]  }
0x28: {  	s2 =	sld [smem:$0x3FAE]  }
0x29: {  	s4 =	sld [smem:$0x3FB0]  }
0x2a: {  	p0 =	seq.s32 s5, $0x0;
	s5 =	sld [smem:$0x3FB1]  }
0x2b: {  	s6 =	sld [smem:$0x3FB2]  }
0x2c: {  	s7 =	sld [smem:$0x3FB3]  }
0x2d: {  	s3 =	simm.s32 $0x108;
	s8 =	sld [smem:$0x3FB4]  }
0x2e: {  	s3 =	simm.s32 @!p0 $0x1082;
	s9 =	sld [smem:$0x3FB5]  }
0x2f: {  	lr =	sadd.s32 s0, s3;
	s0 =	sld [smem:$0x3FAC]  }
0x30: {  	s3 =	sld [smem:$0x3FAF]  }
0x31: {  	[smem:$0x3FB8] =	sst s10  }
0x32: {  	s10 =	sld [smem:$0x3FB6];
	_ =	sdelay $0x3  }
0x33: {  	p0 =	seq.s32 s10, $0x1;
	s10 =	sld [smem:$0x3FB8];
	_ =	sdelay $0x3  }
0x34: {  	[smem:$0x3FB8] =	sst s10  }
0x35: {  	s10 =	sld [smem:$0x3FB7];
	_ =	sdelay $0x3  }
0x36: {  	p1 =	seq.s32 s10, $0x1;
	s10 =	sld [smem:$0x3FB8];
	_ =	sdelay $0x3  }
0x37: {  	[smem:$0x3FB8] =	sst s10  }
0x38: {  	s10 =	sld [smem:$0x3FB9]  }
0x39: {  	_ = 	snop;
	(pc) =	sbr.ind lr, $3  }
0x3a: {  	_ = 	snop  }
0x3b: {  	_ = 	snop  }
0x3c: {  	p2 =	seq.s32 s10, $0x1;
	s10 =	sld [smem:$0x3FB8]  }
0x3d: {  	_ =	shalt  }
0x3e: {  	_ =	shalt  }
0x3f: {  	_ =	shalt  }
0x40: {  	_ =	shalt  }
0x41: {  	_ =	shalt  }
0x42: {  	_ =	shalt  }
0x43: {  	_ =	shalt  }
0x44: {  	_ =	shalt  }
0x45: {  	_ =	shalt  }
0x46: {  	_ =	shalt  }
0x47: {  	_ =	shalt  }
0x48: {  	_ =	shalt  }
0x49: {  	_ =	shalt  }
0x4a: {  	_ =	shalt  }
0x4b: {  	_ =	shalt  }
0x4c: {  	_ =	shalt  }
0x4d: {  	_ =	shalt  }
0x4e: {  	_ =	shalt  }
0x4f: {  	_ =	shalt  }
0x50: {  	_ =	shalt  }
0x51: {  	_ =	shalt  }
0x52: {  	_ =	shalt  }
0x53: {  	_ =	shalt  }
0x54: {  	_ =	shalt  }
0x55: {  	_ =	shalt  }
0x56: {  	_ =	shalt  }
0x57: {  	_ =	shalt  }
0x58: {  	_ =	shalt  }
0x59: {  	_ =	shalt  }
0x5a: {  	_ =	shalt  }
0x5b: {  	_ =	shalt  }
0x5c: {  	_ =	shalt  }
0x5d: {  	_ =	shalt  }
0x5e: {  	_ =	shalt  }
0x5f: {  	_ =	shalt  }
0x60: {  	_ =	shalt  }
0x61: {  	_ =	shalt  }
0x62: {  	_ =	shalt  }
0x63: {  	_ =	shalt  }
0x64: {  	_ =	shalt  }
0x65: {  	_ =	shalt  }
0x66: {  	_ =	shalt  }
0x67: {  	_ =	shalt  }
0x68: {  	_ =	shalt  }
0x69: {  	_ =	shalt  }
0x6a: {  	_ =	shalt  }
0x6b: {  	_ =	shalt  }
0x6c: {  	_ =	shalt  }
0x6d: {  	_ =	shalt  }
0x6e: {  	_ =	shalt  }
0x6f: {  	_ =	shalt  }
0x70: {  	_ =	shalt  }
0x71: {  	_ =	shalt  }
0x72: {  	_ =	shalt  }
0x73: {  	_ =	shalt  }
0x74: {  	_ =	shalt  }
0x75: {  	_ =	shalt  }
0x76: {  	_ =	shalt  }
0x77: {  	_ =	shalt  }
0x78: {  	_ =	shalt  }
0x79: {  	_ =	shalt  }
0x7a: {  	_ =	shalt  }
0x7b: {  	_ =	shalt  }
0x7c: {  	_ =	shalt  }
0x7d: {  	_ =	shalt  }
0x7e: {  	_ =	shalt  }
0x7f: {  	_ =	shalt  }
0x80: {  	_ =	shalt  }
0x81: {  	_ =	shalt  }
0x82: {  	_ =	shalt  }
0x83: {  	_ =	shalt  }
0x84: {  	_ =	shalt  }
0x85: {  	_ =	shalt  }
0x86: {  	_ =	shalt  }
0x87: {  	_ =	shalt  }
.Lfunc_end0:
.L_simem_size_0:
called_computation_lowered:
.L_overlay_start_0:
0x88: {  	s2 =	sld [smem:$0x3FD9]  }
0x89: {  	s3 =	sld [smem:$0x3FFE];
	_ =	sdelay $0x1  }
0x8a: {  	s1 =	srdreg.scid  }
0x8b: {  	s0 =	sand.u32 $0x1, s1  }
0x8c: {  	s17 =	sshll.u32 s0, $0xA;
	s2 =	sadd.s32 s3, s2  }
0x8d: {  	s2 =	sadd.s32 s2, s17  }
0x8e: {  	[smem:$0x3FC4] =	sst s2  }
0x8f: {  	_ = 	snop  }
0x90: {  	s18 =	sld [smem:$0x3FC9];
	(tm) =	ssettm $0x1  }
0x91: {  	s19 =	sld [smem:$0x3FFB];
	_ =	sdelay $0x3  }
0x92: {  	_ =	strace s19  }
0x93: {  	s2 =	sld [smem:$0x3FFC];
	_ =	sdelay $0x3  }
0x94: {  	_ =	strace s2  }
0x95: {  	s2 =	sld [smem:$0x3FFD];
	_ =	sdelay $0x3  }
0x96: {  	_ =	strace s2  }
0x97: {  	_ =	strace $0x8FFFFFFF  }
0x98: {  	s20 =	sld [smem:$0x3FDB];
	_ =	sdelay $0x1  }
0x99: {  	s4 =	simm.s32 $_scs_section_size  }
0x9a: {  	s5 =	simm.s32 $_size__tile_overlayer_lowered;
	s6 =	simm.s32 $_tile_overlayer_lowered  }
0x9b: {  	s7 =	simm.s32 $0x1BFF;
	s21 =	sshll.u32 s6, $0x1;
	s4 =	sadd.s32 s4, s20  }
0x9c: {  	s22 =	simm.s32 $0x0;
	s5 =	sshll.u32 s5, $0x1;
	s6 =	sadd.s32 s21, s4  }
0x9d: {  	[timem:s22], [sflag:s7] =	dma.local [hbm:s6], s5  }
0x9e: {  	_ =	swait.ge [sflag:s7], s5  }
0x9f: {  	s5 =	ssub.s32 $0x0, s5;
	[sflag:s7] =	ssyncset.done $0x0  }
0xa0: {  	[sflag:s7] =	ssyncadd.s32 s5;
	_ =	sdelay $0x1  }
0xa1: {  	s23 =	simm.s32 $0x1B8B  }
0xa2: {  	_ =	swait.ge [sflag:s23], $0x1  }
0xa3: {  	[sflag:s23] =	ssyncset.done $0x0  }
0xa4: {  	[sflag:s23] =	ssyncadd.s32 $0xFFFFFFFF  }
0xa5: {  	s5 =	sld [smem:$0x0]  }
0xa6: {  	s6 =	sand.u32 $0xFFFFFFFE, s1  }
0xa7: {  	p0 =	sne.s32 s1, s6  }
0xa8: {  	s6 =	sshll.u32 @p0 s6, $0xE  }
0xa9: {  	s6 =	sadd.s32 @p0 $0x11B8D, s6;
	s7 =	sshll.u32 @p0 s5, $0x11  }
0xaa: {  	s6 =	sor.u32 @p0 s7, s6  }
0xab: {  	[sflag:s6] =	ssyncadd.remote.s32 @p0 $0x1;
	_ =	sdelay $0x1  }
0xac: {  	s6 =	simm.s32 @p0 $0x1B8D  }
0xad: {  	_ =	swait.eq @p0 [sflag:s6], $0x1  }
0xae: {  	[sflag:s6] =	ssyncadd.s32 @p0 $0xFFFFFFFF  }
0xaf: {  	s7 =	sshll.u32 @!p0 s1, $0xE  }
0xb0: {  	s7 =	sor.u32 @!p0 $0x4000, s7;
	s6 =	simm.s32 @!p0 $0x1B8D  }
0xb1: {  	s5 =	sshll.u32 @!p0 s5, $0x11;
	s7 =	sadd.s32 @!p0 $0x11B8D, s7;
	_ =	swait.eq @!p0 [sflag:s6], $0x1  }
0xb2: {  	s5 =	sor.u32 @!p0 s5, s7;
	[sflag:s6] =	ssyncadd.s32 @!p0 $0xFFFFFFFF  }
0xb3: {  	s25 =	simm.s32 $0x1B8E;
	s24 =	sld [smem:$0x3FFE];
	[sflag:s5] =	ssyncadd.remote.s32 @!p0 $0x1  }
0xb4: {  	s26 =	simm.s32 $execute0_lowered;
	[smem:$0x3FD2] =	sst s25  }
0xb5: {  	s6 =	sshll.u32 s26, $0x1;
	_ =	strace $0x8000004F;
	[dreg:$0x1] =	wrdreg $0xFFFFFFFF  }
0xb6: {  	s28 =	simm.s32 $_size_execute0_lowered;
	s4 =	sadd.s32 s4, s6;
	[dreg:$0x0] =	wrdreg $0x0  }
0xb7: {  	s6 =	sshll.u32 s28, $0x1;
	[dreg:$0x2] =	wrdreg s4  }
0xb8: {  	[dreg:$0x3] =	wrdreg s6  }
0xb9: {  	[dreg:$0x4] =	wrdreg $0xC0  }
0xba: {  	_ =	task [dreg:s22], $0x5FFFF  }
0xbb: {  	[dreg:$0x1] =	wrdreg $0xFFFFFFFF  }
0xbc: {  	[dreg:$0x0] =	wrdreg $0x60  }
0xbd: {  	[dreg:$0x2] =	wrdreg s18  }
0xbe: {  	[dreg:$0x3] =	wrdreg s24  }
0xbf: {  	[dreg:$0x4] =	wrdreg $0x0  }
0xc0: {  	[dreg:$0x5] =	wrdreg $0x9  }
0xc1: {  	_ =	task.clear_ibuf [dreg:s22], $0x6FFFF;
	_ =	strace $0x9000004F  }
0xc2: {  	s29 =	simm.s32 $0x9;
	_ =	strace $0x80000051  }
0xc3: {  	_ =	swait.ge [sflag:s29], $0x1  }
0xc4: {  	[sflag:s29] =	ssyncadd.s32 $0xFFFFFFFF  }
0xc5: {  	_ =	strace $0x90000051  }
0xc6: {  	_ =	sfence  }
0xc7: {  	s30 =	sld [smem:$0x0];
	_ =	sdelay $0x2  }
0xc8: {  	s31 =	sshll.u32 s1, $0xD;
	s1 =	sshrl.u32 s1, $0x2  }
0xc9: {  	s4 =	sand.u32 $0x4000, s31;
	s1 =	sadd.s32 s1, s30  }
0xca: {  	s0 =	sor.u32 s4, s0;
	s1 =	sshll.u32 s1, $0x11  }
0xcb: {  	s0 =	sor.u32 s1, s0  }
0xcc: {  	s0 =	sadd.s32 $0x8F2B, s0  }
0xcd: {  	[sflag:s0] =	ssyncadd.remote.s32 $0x1  }
0xce: {  	_ =	sfence.sel $0xFFFF  }
0xcf: {  	[dreg:$0x0] =	wrdreg $0xFFFFFFFF;
	(pc) =	sbr.abs _section_cstart, $3  }
0xd0: {  	[dreg:$0x1] =	wrdreg $0xFFFFFFFF  }
0xd1: {  	_ =	task.clear_ibuf [dreg:s22], $0x2FFFF;
	_ =	strace $0x9FFFFFFF  }
0xd2: {  	(tm) =	ssettm $0x7FFFFFFF  }
0xd3: {  	_ =	shalt  }
tec
execute0_lowered:
.L_overlay_start_1:
0x0: {  	(tag) =	ssettag $0x1  }
0x1: {  	s0 =	rddreg [dreg:$0x1]  }
0x2: {  	s1 =	srdreg.scid;
	s15 =	stileid.u32  }
0x3: {  	s2 =	rddreg [dreg:$0x2];
	s3 =	simm.s32 $0x0;
	s19 =	simm.s32 $0x13900  }
0x4: {  	s20 =	simm.s32 $0x1;
	s28 =	simm.s32 $0x5;
	s29 =	simm.s32 $0x6  }
0x5: {  	s30 =	simm.s32 $0x0;
	s1 =	sand.u32 $0x1, s1;
	s11 =	smul.u32 $0x2800, s15  }
0x6: {  	s4 =	sshll.u32 s15, $0x1;
	[smem:$0x7FF] =	sst s3;
	s16 =	smul.u32 $0x140000, s15  }
0x7: {  	s14 =	sadd.s32 $0xC00, s0;
	s0 =	sadd.s32 $0x794C00, s0;
	s12 =	smul.u32 $0x1400, s1  }
0x8: {  	s5 =	sor.u32 s1, s4;
	s21 =	ssub.s32 $0x2, s1;
	s1 =	smul.u32 $0xA0000, s1  }
0x9: {  	p0 =	sne.s32 s15, $0x0;
	s6 =	smul.u32 $0x1400, s5;
	s7 =	sshrl.u32 s21, $0x1  }
0xa: {  	_ =	strace $0x80000050;
	s22 =	smul.u32 $0xA0000, s5;
	s7 =	ssub.s32 s21, s7  }
0xb: {  	s13 =	sadd.s32 s12, s11;
	s1 =	sadd.s32 s1, s16;
	s21 =	simm.s32 $0x80  }
0xc: {  	s8 =	sshrl.u32 s6, $0x3;
	s9 =	sor.u32 $0x100, s6;
	s10 =	sor.u32 $0x180, s6  }
0xd: {  	s24 =	smax.u32 s7, $0x1;
	s25 =	sshrl.u32 s22, $0x3;
	s17 =	sor.u32 $0x280, s13  }
0xe: {  	s18 =	sor.u32 $0x200, s13;
	s16 =	sor.u32 $0x8000, s1;
	s1 =	sor.u32 $0xC000, s1  }
0xf: {  	s22 =	simm.s32 $0x13980;
	s4 =	sadd.s32 s14, s8;
	[dreg:$0x5] =	wrdreg s24  }
0x10: {  	s7 =	sadd.s32 s0, s25;
	s26 =	sshrl.u32 s9, $0x3;
	s10 =	sshrl.u32 s10, $0x3  }
0x11: {  	s17 =	sshrl.u32 s17, $0x3;
	s31 =	sshrl.u32 s18, $0x3;
	s16 =	sshrl.u32 s16, $0x3  }
0x12: {  	s1 =	sshrl.u32 s1, $0x3;
	s18 =	simm.s32 $0x13880;
	s24 =	simm.s32 $0x2  }
0x13: {  	s25 =	simm.s32 $0x17980;
	s23 =	sadd.s32 $0x10, s4;
	s8 =	sadd.s32 s14, s26  }
0x14: {  	s9 =	sadd.s32 $0x800, s7;
	s10 =	sadd.s32 s14, s10;
	s11 =	sadd.s32 $0x13000, s7  }
0x15: {  	s12 =	sadd.s32 $0x13800, s7;
	s13 =	sadd.s32 s17, s14;
	s14 =	sadd.s32 s31, s14  }
0x16: {  	s15 =	sadd.s32 s16, s0;
	s16 =	sadd.s32 s1, s0;
	s17 =	sshrl.u32 @!p0 s2, $0x3  }
0x17: {  	s26 =	simm.s32 $0x4;
	[dreg:$0x4] =	wrdreg s23;
	s23 =	simm.s32 $0x3  }
.LBB2_1:
0x18: {  	s0 =	simm.s32 @!p0 $0x1C07;
	s1 =	rddreg [dreg:$0x0]  }
0x19: {  	[spmem:s17], [sflag:s0] =	dma.local @!p0 [hbm:s1], $0x27100  }
0x1a: {  	s0 =	simm.s32 @!p0 $0x7  }
0x1b: {  	_ =	swait.ge @!p0 [sflag:s0], $0x27100  }
0x1c: {  	[sflag:s0] =	ssyncset.done @!p0 $0x0  }
0x1d: {  	[sflag:s0] =	ssyncadd.s32 @!p0 $0xFFFD8F00  }
0x1e: {  	[bflag:$0x0] =	sbarrier.arrive $0xFFFF  }
0x1f: {  	[tilespmem:s18], [sflag:$0x1] =	stream.linear.gather [hbm4b:s4+s3], $0x80, $0x38;
	[tilespmem:$0x1B980] =	vst v63  }
0x20: {  	s1 =	rddreg [dreg:$0x4]  }
0x21: {  	[tilespmem:s19], [sflag:$0x2] =	stream.linear.gather [hbm4b:s1+s3], $0x80, $0x38;
	[tilespmem:$0x1B980] =	vst v63  }
0x22: {  	_ =	swait.ge [sflag:s20], $0x80  }
0x23: {  	[sflag:s20] =	ssyncset.done $0x0  }
0x24: {  	[sflag:s20] =	ssyncadd.s32 $0xFFFFFF80  }
0x25: {  	[tilespmem:s22], [sflag:$0x3] =	stream.indirect.gather [spmem:s2], $0x80, s18, s21, $0xb8;
	[tilespmem:$0x1B980] =	vst v63  }
0x26: {  	_ =	swait.ge [sflag:s23], $0x4000  }
0x27: {  	[sflag:s23] =	ssyncset.done $0x0  }
0x28: {  	[sflag:s23] =	ssyncadd.s32 $0xFFFFC000  }
0x29: {  	[hbm4b:s7+s3] =	stream.linear.scatter [tilespmem:s22], [sflag:$0x5], $0x4000, $0x38;
	[tilespmem:$0x1B980] =	vst v63  }
0x2a: {  	_ = 	snop  }
0x2b: {  	[tilespmem:s18], [sflag:$0x1] =	stream.linear.gather [hbm4b:s8+s3], $0x80, $0x38;
	[tilespmem:$0x1B980] =	vst v63  }
0x2c: {  	_ =	swait.ge [sflag:s24], $0x80  }
0x2d: {  	[sflag:s24] =	ssyncset.done $0x0  }
0x2e: {  	[sflag:s24] =	ssyncadd.s32 $0xFFFFFF80  }
0x2f: {  	[tilespmem:s25], [sflag:$0x4] =	stream.indirect.gather [spmem:s2], $0x80, s19, s21, $0xb8;
	[tilespmem:$0x1B980] =	vst v63  }
0x30: {  	_ =	swait.ge [sflag:s26], $0x4000  }
0x31: {  	[sflag:s26] =	ssyncset.done $0x0  }
0x32: {  	[sflag:s26] =	ssyncadd.s32 $0xFFFFC000  }
0x33: {  	[hbm4b:s9+s3] =	stream.linear.scatter [tilespmem:s25], [sflag:$0x6], $0x4000, $0x38;
	[tilespmem:$0x1B980] =	vst v63  }
0x34: {  	_ = 	snop  }
0x35: {  	[tilespmem:s19], [sflag:$0x2] =	stream.linear.gather [hbm4b:s10+s3], $0x80, $0x38;
	[tilespmem:$0x1B980] =	vst v63  }
0x36: {  	_ =	swait.ge [sflag:s20], $0x80  }
0x37: {  	[sflag:s20] =	ssyncset.done $0x0  }
0x38: {  	[sflag:s20] =	ssyncadd.s32 $0xFFFFFF80  }
0x39: {  	_ =	swait.ge [sflag:s28], $0x4000  }
0x3a: {  	[sflag:s28] =	ssyncset.done $0x0  }
0x3b: {  	[sflag:s28] =	ssyncadd.s32 $0xFFFFC000  }
0x3c: {  	[tilespmem:s22], [sflag:$0x3] =	stream.indirect.gather [spmem:s2], $0x80, s18, s21, $0xb8;
	[tilespmem:$0x1B980] =	vst v63  }
0x3d: {  	_ =	swait.ge [sflag:s23], $0x4000  }
0x3e: {  	[sflag:s23] =	ssyncset.done $0x0  }
0x3f: {  	[sflag:s23] =	ssyncadd.s32 $0xFFFFC000  }
0x40: {  	[hbm4b:s15+s3] =	stream.linear.scatter [tilespmem:s22], [sflag:$0x5], $0x4000, $0x38;
	[tilespmem:$0x1B980] =	vst v63  }
0x41: {  	s5 =	sadd.s32 $0x0, s14  }
0x42: {  	[tilespmem:s18], [sflag:$0x1] =	stream.linear.gather [hbm4b:s5+s3], $0x80, $0x38;
	[tilespmem:$0x1B980] =	vst v63  }
0x43: {  	_ =	swait.ge [sflag:s24], $0x80  }
0x44: {  	[sflag:s24] =	ssyncset.done $0x0  }
0x45: {  	[sflag:s24] =	ssyncadd.s32 $0xFFFFFF80  }
0x46: {  	_ =	swait.ge [sflag:s29], $0x4000  }
0x47: {  	[sflag:s29] =	ssyncset.done $0x0  }
0x48: {  	[sflag:s29] =	ssyncadd.s32 $0xFFFFC000  }
0x49: {  	[tilespmem:s25], [sflag:$0x4] =	stream.indirect.gather [spmem:s2], $0x80, s19, s21, $0xb8;
	[tilespmem:$0x1B980] =	vst v63  }
0x4a: {  	_ =	swait.ge [sflag:s26], $0x4000  }
0x4b: {  	[sflag:s26] =	ssyncset.done $0x0  }
0x4c: {  	[sflag:s26] =	ssyncadd.s32 $0xFFFFC000  }
0x4d: {  	[hbm4b:s16+s3] =	stream.linear.scatter [tilespmem:s25], [sflag:$0x6], $0x4000, $0x38;
	[tilespmem:$0x1B980] =	vst v63  }
0x4e: {  	s6 =	sadd.s32 $0x0, s13  }
0x4f: {  	[tilespmem:s19], [sflag:$0x2] =	stream.linear.gather [hbm4b:s6+s3], $0x80, $0x38;
	[tilespmem:$0x1B980] =	vst v63  }
0x50: {  	_ =	swait.ge [sflag:s20], $0x80  }
0x51: {  	[sflag:s20] =	ssyncset.done $0x0  }
0x52: {  	[sflag:s20] =	ssyncadd.s32 $0xFFFFFF80  }
0x53: {  	_ =	swait.ge [sflag:s28], $0x4000  }
0x54: {  	s31 =	simm.s32 $0x20;
	[sflag:s28] =	ssyncset.done $0x0  }
0x55: {  	s0 =	sadd.s32 $0x1000, s16;
	s1 =	sadd.s32 $0x1000, s15;
	[sflag:s28] =	ssyncadd.s32 $0xFFFFC000  }
.LBB2_2:
0x56: {  	[tilespmem:s22], [sflag:$0x3] =	stream.indirect.gather [spmem:s2], $0x80, s18, s21, $0xb8;
	[tilespmem:$0x1B980] =	vst v63  }
0x57: {  	s5 =	smov.u32 s31  }
0x58: {  	p1 =	sne.s32 s31, $0x220;
	s31 =	sadd.s32 $0x20, s31;
	_ =	swait.ge [sflag:s23], $0x4000  }
0x59: {  	[sflag:s23] =	ssyncset.done $0x0  }
0x5a: {  	[sflag:s23] =	ssyncadd.s32 $0xFFFFC000  }
0x5b: {  	[hbm4b:s1+s3] =	stream.linear.scatter [tilespmem:s22], [sflag:$0x5], $0x4000, $0x38;
	[tilespmem:$0x1B980] =	vst v63  }
0x5c: {  	s6 =	sadd.s32 s5, s14  }
0x5d: {  	[tilespmem:s18], [sflag:$0x1] =	stream.linear.gather [hbm4b:s6+s3], $0x80, $0x38;
	[tilespmem:$0x1B980] =	vst v63  }
0x5e: {  	_ =	swait.ge [sflag:s24], $0x80  }
0x5f: {  	[sflag:s24] =	ssyncset.done $0x0  }
0x60: {  	[sflag:s24] =	ssyncadd.s32 $0xFFFFFF80  }
0x61: {  	_ =	swait.ge [sflag:s29], $0x4000  }
0x62: {  	[sflag:s29] =	ssyncset.done $0x0  }
0x63: {  	[sflag:s29] =	ssyncadd.s32 $0xFFFFC000  }
0x64: {  	[tilespmem:s25], [sflag:$0x4] =	stream.indirect.gather [spmem:s2], $0x80, s19, s21, $0xb8;
	[tilespmem:$0x1B980] =	vst v63  }
0x65: {  	_ =	swait.ge [sflag:s26], $0x4000  }
0x66: {  	[sflag:s26] =	ssyncset.done $0x0  }
0x67: {  	[sflag:s26] =	ssyncadd.s32 $0xFFFFC000  }
0x68: {  	[hbm4b:s0+s3] =	stream.linear.scatter [tilespmem:s25], [sflag:$0x6], $0x4000, $0x38;
	[tilespmem:$0x1B980] =	vst v63  }
0x69: {  	s5 =	sadd.s32 s5, s13  }
0x6a: {  	[tilespmem:s19], [sflag:$0x2] =	stream.linear.gather [hbm4b:s5+s3], $0x80, $0x38;
	[tilespmem:$0x1B980] =	vst v63  }
0x6b: {  	_ =	swait.ge [sflag:s20], $0x80  }
.Ltmp0:
0x6c: {  	[sflag:s20] =	ssyncset.done $0x0;
	(pc) =	sbr.rel @p1 .LBB2_2-.Ltmp0, $4  }
0x6d: {  	[sflag:s20] =	ssyncadd.s32 $0xFFFFFF80  }
0x6e: {  	_ =	swait.ge [sflag:s28], $0x4000  }
0x6f: {  	[sflag:s28] =	ssyncset.done $0x0  }
0x70: {  	s1 =	sadd.s32 $0x1000, s1;
	s0 =	sadd.s32 $0x1000, s0;
	[sflag:s28] =	ssyncadd.s32 $0xFFFFC000  }
0x71: {  	[tilespmem:s22], [sflag:$0x3] =	stream.indirect.gather [spmem:s2], $0x80, s18, s21, $0xb8;
	[tilespmem:$0x1B980] =	vst v63  }
0x72: {  	_ =	swait.ge [sflag:s23], $0x4000  }
0x73: {  	[sflag:s23] =	ssyncset.done $0x0  }
0x74: {  	[sflag:s23] =	ssyncadd.s32 $0xFFFFC000  }
0x75: {  	[hbm4b:s11+s3] =	stream.linear.scatter [tilespmem:s22], [sflag:$0x5], $0x4000, $0x38;
	[tilespmem:$0x1B980] =	vst v63  }
0x76: {  	_ =	swait.ge [sflag:s24], $0x80  }
0x77: {  	[sflag:s24] =	ssyncset.done $0x0  }
0x78: {  	[sflag:s24] =	ssyncadd.s32 $0xFFFFFF80  }
0x79: {  	_ =	swait.ge [sflag:s29], $0x4000  }
0x7a: {  	[sflag:s29] =	ssyncset.done $0x0  }
0x7b: {  	[sflag:s29] =	ssyncadd.s32 $0xFFFFC000  }
0x7c: {  	[tilespmem:s25], [sflag:$0x4] =	stream.indirect.gather [spmem:s2], $0x80, s19, s21, $0xb8;
	[tilespmem:$0x1B980] =	vst v63  }
0x7d: {  	_ =	swait.ge [sflag:s26], $0x4000  }
0x7e: {  	[sflag:s26] =	ssyncset.done $0x0  }
0x7f: {  	[sflag:s26] =	ssyncadd.s32 $0xFFFFC000  }
0x80: {  	[hbm4b:s12+s3] =	stream.linear.scatter [tilespmem:s25], [sflag:$0x6], $0x4000, $0x38;
	[tilespmem:$0x1B980] =	vst v63  }
0x81: {  	_ =	swait.ge [sflag:s28], $0x4000  }
0x82: {  	[sflag:s28] =	ssyncset.done $0x0  }
0x83: {  	[sflag:s28] =	ssyncadd.s32 $0xFFFFC000  }
0x84: {  	_ =	swait.ge [sflag:s29], $0x4000  }
0x85: {  	s30 =	sadd.s32 $0x1, s30;
	s0 =	rddreg [dreg:$0x5]  }
0x86: {  	p1 =	sne.s32 s30, s0  }
.Ltmp1:
0x87: {  	_ = 	snop;
	(pc) =	sbr.rel @p1 .LBB2_1-.Ltmp1, $3  }
0x88: {  	_ =	sdelay $0x1  }
0x89: {  	[sflag:s29] =	ssyncset.done $0x0  }
0x8a: {  	[sflag:s29] =	ssyncadd.s32 $0xFFFFC000  }
0x8b: {  	_ =	sfence.sel $0x180000  }
0x8c: {  	[bflag:$0x0] =	sbarrier.arrive $0xFFFF  }
0x8d: {  	_ =	strace $0x90000050  }
0x8e: {  	[bflag:$0x2] =	sbarrier.arrive $0xFFFF  }
0x8f: {  	s0 =	rddreg [dreg:$0x3]  }
0x90: {  	s0 =	sadd.s32 @!p0 $0x100000, s0  }
0x91: {  	[sflag:s0] =	ssyncadd.tile.s32 @!p0 $0x1;
	_ =	shalt  }
.Lfunc_end2:
_tile_overlayer_lowered:
.L_overlay_start_2:
0x92: {  	(tag) =	ssettag $0x2  }
0x93: {  	s0 =	rddreg [dreg:$0x0];
	s2 =	stileid.u32  }
0x94: {  	s1 =	rddreg [dreg:$0x1];
	p0 =	sne.s32 s2, $0x0  }
0x95: {  	s3 =	rddreg [dreg:$0x2];
	[bflag:$0x3] =	sbarrier.arrive $0xFFFF;
	s2 =	simm.s32 @!p0 $0x1C07  }
0x96: {  	[timem:s3], [sflag:s2] =	dma.local @!p0 [hbm:s0], s1  }
0x97: {  	s0 =	simm.s32 @!p0 $0x7  }
0x98: {  	_ =	swait.ge @!p0 [sflag:s0], s1  }
0x99: {  	s1 =	ssub.s32 @!p0 $0x0, s1;
	[sflag:s0] =	ssyncset.done @!p0 $0x0  }
0x9a: {  	[sflag:s0] =	ssyncadd.s32 @!p0 s1  }
0x9b: {  	[bflag:$0x3] =	sbarrier.arrive $0xFFFF  }
0x9c: {  	_ =	shalt  }

// kernel: kernel.13.cloned.1.call-start
scs
__scs_entry_jumppad:
0x0: {  	(pc) =	sbr.rel $0x88, $3  }
0x1: {  	(tag) =	ssettag $0x0;
	lr =	simm.s32 $0x1  }
0x2: {  	[smem:$0x3F9D] =	sst lr;
	_ =	strace $0xD0000000  }
0x3: {  	_ = 	snop  }
0x4: {  	_ = 	snop  }
0x5: {  	_ = 	snop  }
0x6: {  	_ = 	snop  }
0x7: {  	_ = 	snop  }
__scs_overlays_trampoline_lowered:
0x8: {  	[smem:$0x3FAC] =	sst s0  }
0x9: {  	[smem:$0x3FAD] =	sst s1  }
0xa: {  	[smem:$0x3FAE] =	sst s2  }
0xb: {  	[smem:$0x3FAF] =	sst s3  }
0xc: {  	[smem:$0x3FB0] =	sst s4  }
0xd: {  	[smem:$0x3FB1] =	sst s5  }
0xe: {  	[smem:$0x3FB2] =	sst s6  }
0xf: {  	[smem:$0x3FB3] =	sst s7  }
0x10: {  	[smem:$0x3FB4] =	sst s8  }
0x11: {  	[smem:$0x3FB5] =	sst s9;
	s0 =	simm.s32 @!p0 $0x0  }
0x12: {  	s1 =	sld [smem:$0x3F9B];
	s0 =	simm.s32 @p0 $0x1  }
0x13: {  	[smem:$0x3FB6] =	sst s0;
	s0 =	simm.s32 @!p1 $0x0  }
0x14: {  	s2 =	sld [smem:$0x3F9A];
	s0 =	simm.s32 @p1 $0x1  }
0x15: {  	[smem:$0x3FB7] =	sst s0;
	s0 =	simm.s32 @!p2 $0x0  }
0x16: {  	s3 =	sld [smem:$0x3FDB];
	s0 =	simm.s32 @p2 $0x1  }
0x17: {  	s4 =	simm.s32 $0x1BF5;
	[smem:$0x3FB9] =	sst s0  }
0x18: {  	s0 =	sld [smem:$0x3F9C];
	_ =	swait.ge [sflag:s4], $0x0  }
0x19: {  	s7 =	sld [smem:$0x3F9D]  }
0x1a: {  	s8 =	sadd.s32 $0xFFFFE003, lr  }
0x1b: {  	s9 =	sadd.s32 $0xFFFFFEF7, lr;
	s5 =	simm.s32 $0xFFFFFFFF;
	p2 =	slt.u32 s8, $0xFFFFF086  }
0x1c: {  	p1 =	slt.u32 s9, $0xF7A;
	s5 =	simm.s32 @!p2 $0x0  }
0x1d: {  	s5 =	simm.s32 @p1 $0x1;
	p0 =	seq.s32 s7, s2  }
0x1e: {  	s7 =	smul.u32 @!p0 $0xF7A, s2;
	p2 =	seq.s32 @!p0 s5, $0x0  }
0x1f: {  	s9 =	smul.u32 $0xF7A, s1;
	s8 =	simm.s32 @!p0 $0x1BF5;
	p2 =	por !p2, p0  }
0x20: {  	[sflag:s8] =	ssyncset.s32 @!p0 $0xFFFFF086;
	s6 =	sadd.s32 @!p0 s3, s7;
	s7 =	simm.s32 @!p0 $0x108  }
0x21: {  	s3 =	sadd.s32 s3, s9;
	s6 =	sadd.s32 @!p0 $0x88, s6;
	s7 =	simm.s32 @p2 $0x1082  }
0x22: {  	[simem:s7], [sflag:s8] =	dma.local @!p0 [hbm:s6], $0xF7A  }
0x23: {  	s9 =	sor.u32 $0xD0000000, s2;
	s6 =	simm.s32 $0x108;
	_ =	swait.ge @!p0 [sflag:s8], $0x0  }
0x24: {  	s3 =	sadd.s32 $0x88, s3;
	s6 =	simm.s32 @!p1 $0x1082;
	[sflag:s4] =	ssyncset.s32 $0xFFFFF086  }
0x25: {  	[simem:s6], [sflag:s4] =	dma.local [hbm:s3], $0xF7A  }
0x26: {  	[smem:$0x3F9D] =	sst s1;
	(tag) =	ssettag s2;
	_ =	strace s9  }
0x27: {  	s1 =	sld [smem:$0x3FAD]  }
0x28: {  	s2 =	sld [smem:$0x3FAE]  }
0x29: {  	s4 =	sld [smem:$0x3FB0]  }
0x2a: {  	p0 =	seq.s32 s5, $0x0;
	s5 =	sld [smem:$0x3FB1]  }
0x2b: {  	s6 =	sld [smem:$0x3FB2]  }
0x2c: {  	s7 =	sld [smem:$0x3FB3]  }
0x2d: {  	s3 =	simm.s32 $0x108;
	s8 =	sld [smem:$0x3FB4]  }
0x2e: {  	s3 =	simm.s32 @!p0 $0x1082;
	s9 =	sld [smem:$0x3FB5]  }
0x2f: {  	lr =	sadd.s32 s0, s3;
	s0 =	sld [smem:$0x3FAC]  }
0x30: {  	s3 =	sld [smem:$0x3FAF]  }
0x31: {  	[smem:$0x3FB8] =	sst s10  }
0x32: {  	s10 =	sld [smem:$0x3FB6];
	_ =	sdelay $0x3  }
0x33: {  	p0 =	seq.s32 s10, $0x1;
	s10 =	sld [smem:$0x3FB8];
	_ =	sdelay $0x3  }
0x34: {  	[smem:$0x3FB8] =	sst s10  }
0x35: {  	s10 =	sld [smem:$0x3FB7];
	_ =	sdelay $0x3  }
0x36: {  	p1 =	seq.s32 s10, $0x1;
	s10 =	sld [smem:$0x3FB8];
	_ =	sdelay $0x3  }
0x37: {  	[smem:$0x3FB8] =	sst s10  }
0x38: {  	s10 =	sld [smem:$0x3FB9]  }
0x39: {  	_ = 	snop;
	(pc) =	sbr.ind lr, $3  }
0x3a: {  	_ = 	snop  }
0x3b: {  	_ = 	snop  }
0x3c: {  	p2 =	seq.s32 s10, $0x1;
	s10 =	sld [smem:$0x3FB8]  }
0x3d: {  	_ =	shalt  }
0x3e: {  	_ =	shalt  }
0x3f: {  	_ =	shalt  }
0x40: {  	_ =	shalt  }
0x41: {  	_ =	shalt  }
0x42: {  	_ =	shalt  }
0x43: {  	_ =	shalt  }
0x44: {  	_ =	shalt  }
0x45: {  	_ =	shalt  }
0x46: {  	_ =	shalt  }
0x47: {  	_ =	shalt  }
0x48: {  	_ =	shalt  }
0x49: {  	_ =	shalt  }
0x4a: {  	_ =	shalt  }
0x4b: {  	_ =	shalt  }
0x4c: {  	_ =	shalt  }
0x4d: {  	_ =	shalt  }
0x4e: {  	_ =	shalt  }
0x4f: {  	_ =	shalt  }
0x50: {  	_ =	shalt  }
0x51: {  	_ =	shalt  }
0x52: {  	_ =	shalt  }
0x53: {  	_ =	shalt  }
0x54: {  	_ =	shalt  }
0x55: {  	_ =	shalt  }
0x56: {  	_ =	shalt  }
0x57: {  	_ =	shalt  }
0x58: {  	_ =	shalt  }
0x59: {  	_ =	shalt  }
0x5a: {  	_ =	shalt  }
0x5b: {  	_ =	shalt  }
0x5c: {  	_ =	shalt  }
0x5d: {  	_ =	shalt  }
0x5e: {  	_ =	shalt  }
0x5f: {  	_ =	shalt  }
0x60: {  	_ =	shalt  }
0x61: {  	_ =	shalt  }
0x62: {  	_ =	shalt  }
0x63: {  	_ =	shalt  }
0x64: {  	_ =	shalt  }
0x65: {  	_ =	shalt  }
0x66: {  	_ =	shalt  }
0x67: {  	_ =	shalt  }
0x68: {  	_ =	shalt  }
0x69: {  	_ =	shalt  }
0x6a: {  	_ =	shalt  }
0x6b: {  	_ =	shalt  }
0x6c: {  	_ =	shalt  }
0x6d: {  	_ =	shalt  }
0x6e: {  	_ =	shalt  }
0x6f: {  	_ =	shalt  }
0x70: {  	_ =	shalt  }
0x71: {  	_ =	shalt  }
0x72: {  	_ =	shalt  }
0x73: {  	_ =	shalt  }
0x74: {  	_ =	shalt  }
0x75: {  	_ =	shalt  }
0x76: {  	_ =	shalt  }
0x77: {  	_ =	shalt  }
0x78: {  	_ =	shalt  }
0x79: {  	_ =	shalt  }
0x7a: {  	_ =	shalt  }
0x7b: {  	_ =	shalt  }
0x7c: {  	_ =	shalt  }
0x7d: {  	_ =	shalt  }
0x7e: {  	_ =	shalt  }
0x7f: {  	_ =	shalt  }
0x80: {  	_ =	shalt  }
0x81: {  	_ =	shalt  }
0x82: {  	_ =	shalt  }
0x83: {  	_ =	shalt  }
0x84: {  	_ =	shalt  }
0x85: {  	_ =	shalt  }
0x86: {  	_ =	shalt  }
0x87: {  	_ =	shalt  }
.Lfunc_end0:
.L_simem_size_0:
called_computation.1_lowered:
.L_overlay_start_0:
0x88: {  	s2 =	sld [smem:$0x3FD9]  }
0x89: {  	s3 =	sld [smem:$0x3FFE];
	_ =	sdelay $0x1  }
0x8a: {  	s1 =	srdreg.scid  }
0x8b: {  	s0 =	sand.u32 $0x1, s1  }
0x8c: {  	s17 =	sshll.u32 s0, $0xA;
	s2 =	sadd.s32 s3, s2  }
0x8d: {  	s2 =	sadd.s32 s2, s17  }
0x8e: {  	[smem:$0x3FC4] =	sst s2  }
0x8f: {  	_ = 	snop  }
0x90: {  	s18 =	sld [smem:$0x3FC9];
	(tm) =	ssettm $0x1  }
0x91: {  	s19 =	sld [smem:$0x3FFB];
	_ =	sdelay $0x3  }
0x92: {  	_ =	strace s19  }
0x93: {  	s2 =	sld [smem:$0x3FFC];
	_ =	sdelay $0x3  }
0x94: {  	_ =	strace s2  }
0x95: {  	s2 =	sld [smem:$0x3FFD];
	_ =	sdelay $0x3  }
0x96: {  	_ =	strace s2  }
0x97: {  	_ =	strace $0x8FFFFFFF  }
0x98: {  	s20 =	sld [smem:$0x3FDB];
	_ =	sdelay $0x1  }
0x99: {  	s4 =	simm.s32 $_scs_section_size  }
0x9a: {  	s5 =	simm.s32 $_size__tile_overlayer_lowered;
	s6 =	simm.s32 $_tile_overlayer_lowered  }
0x9b: {  	s7 =	simm.s32 $0x1BFF;
	s21 =	sshll.u32 s6, $0x1;
	s4 =	sadd.s32 s4, s20  }
0x9c: {  	s22 =	simm.s32 $0x0;
	s5 =	sshll.u32 s5, $0x1;
	s6 =	sadd.s32 s21, s4  }
0x9d: {  	[timem:s22], [sflag:s7] =	dma.local [hbm:s6], s5  }
0x9e: {  	_ =	swait.ge [sflag:s7], s5  }
0x9f: {  	s5 =	ssub.s32 $0x0, s5;
	[sflag:s7] =	ssyncset.done $0x0  }
0xa0: {  	[sflag:s7] =	ssyncadd.s32 s5;
	_ =	sdelay $0x1  }
0xa1: {  	s23 =	simm.s32 $0x1B8B  }
0xa2: {  	_ =	swait.ge [sflag:s23], $0x1  }
0xa3: {  	[sflag:s23] =	ssyncset.done $0x0  }
0xa4: {  	[sflag:s23] =	ssyncadd.s32 $0xFFFFFFFF  }
0xa5: {  	s5 =	sld [smem:$0x0]  }
0xa6: {  	s6 =	sand.u32 $0xFFFFFFFE, s1  }
0xa7: {  	p0 =	sne.s32 s1, s6  }
0xa8: {  	s6 =	sshll.u32 @p0 s6, $0xE  }
0xa9: {  	s6 =	sadd.s32 @p0 $0x11B8D, s6;
	s7 =	sshll.u32 @p0 s5, $0x11  }
0xaa: {  	s6 =	sor.u32 @p0 s7, s6  }
0xab: {  	[sflag:s6] =	ssyncadd.remote.s32 @p0 $0x1;
	_ =	sdelay $0x1  }
0xac: {  	s6 =	simm.s32 @p0 $0x1B8D  }
0xad: {  	_ =	swait.eq @p0 [sflag:s6], $0x1  }
0xae: {  	[sflag:s6] =	ssyncadd.s32 @p0 $0xFFFFFFFF  }
0xaf: {  	s7 =	sshll.u32 @!p0 s1, $0xE  }
0xb0: {  	s7 =	sor.u32 @!p0 $0x4000, s7;
	s6 =	simm.s32 @!p0 $0x1B8D  }
0xb1: {  	s5 =	sshll.u32 @!p0 s5, $0x11;
	s7 =	sadd.s32 @!p0 $0x11B8D, s7;
	_ =	swait.eq @!p0 [sflag:s6], $0x1  }
0xb2: {  	s5 =	sor.u32 @!p0 s5, s7;
	[sflag:s6] =	ssyncadd.s32 @!p0 $0xFFFFFFFF  }
0xb3: {  	s25 =	simm.s32 $0x1B8E;
	s24 =	sld [smem:$0x3FFE];
	[sflag:s5] =	ssyncadd.remote.s32 @!p0 $0x1  }
0xb4: {  	s26 =	simm.s32 $execute0_lowered;
	[smem:$0x3FD2] =	sst s25  }
0xb5: {  	s6 =	sshll.u32 s26, $0x1;
	_ =	strace $0x8000004C;
	[dreg:$0x1] =	wrdreg $0xFFFFFFFF  }
0xb6: {  	s28 =	simm.s32 $_size_execute0_lowered;
	s4 =	sadd.s32 s4, s6;
	[dreg:$0x0] =	wrdreg $0x0  }
0xb7: {  	s6 =	sshll.u32 s28, $0x1;
	[dreg:$0x2] =	wrdreg s4  }
0xb8: {  	[dreg:$0x3] =	wrdreg s6  }
0xb9: {  	[dreg:$0x4] =	wrdreg $0xC0  }
0xba: {  	_ =	task [dreg:s22], $0x5FFFF  }
0xbb: {  	[dreg:$0x1] =	wrdreg $0xFFFFFFFF  }
0xbc: {  	[dreg:$0x0] =	wrdreg $0x60  }
0xbd: {  	[dreg:$0x2] =	wrdreg s18  }
0xbe: {  	[dreg:$0x3] =	wrdreg s24  }
0xbf: {  	[dreg:$0x4] =	wrdreg $0x0  }
0xc0: {  	[dreg:$0x5] =	wrdreg $0xA  }
0xc1: {  	_ =	task.clear_ibuf [dreg:s22], $0x6FFFF;
	_ =	strace $0x9000004C  }
0xc2: {  	s29 =	simm.s32 $0xA;
	_ =	strace $0x8000004E  }
0xc3: {  	_ =	swait.ge [sflag:s29], $0x1  }
0xc4: {  	[sflag:s29] =	ssyncadd.s32 $0xFFFFFFFF  }
0xc5: {  	_ =	strace $0x9000004E  }
0xc6: {  	_ =	sfence  }
0xc7: {  	s30 =	sld [smem:$0x0];
	_ =	sdelay $0x2  }
0xc8: {  	s31 =	sshll.u32 s1, $0xD;
	s1 =	sshrl.u32 s1, $0x2  }
0xc9: {  	s4 =	sand.u32 $0x4000, s31;
	s1 =	sadd.s32 s1, s30  }
0xca: {  	s0 =	sor.u32 s4, s0;
	s1 =	sshll.u32 s1, $0x11  }
0xcb: {  	s0 =	sor.u32 s1, s0  }
0xcc: {  	s0 =	sadd.s32 $0x8F2B, s0  }
0xcd: {  	[sflag:s0] =	ssyncadd.remote.s32 $0x1  }
0xce: {  	_ =	sfence.sel $0xFFFF  }
0xcf: {  	[dreg:$0x0] =	wrdreg $0xFFFFFFFF;
	(pc) =	sbr.abs _section_cstart, $3  }
0xd0: {  	[dreg:$0x1] =	wrdreg $0xFFFFFFFF  }
0xd1: {  	_ =	task.clear_ibuf [dreg:s22], $0x2FFFF;
	_ =	strace $0x9FFFFFFF  }
0xd2: {  	(tm) =	ssettm $0x7FFFFFFF  }
0xd3: {  	_ =	shalt  }
tec
execute0_lowered:
.L_overlay_start_1:
0x0: {  	(tag) =	ssettag $0x1  }
0x1: {  	s0 =	rddreg [dreg:$0x1]  }
0x2: {  	s1 =	srdreg.scid;
	s15 =	stileid.u32  }
0x3: {  	s2 =	rddreg [dreg:$0x2];
	s3 =	simm.s32 $0x0;
	s19 =	simm.s32 $0x13900  }
0x4: {  	s20 =	simm.s32 $0x1;
	s21 =	simm.s32 $0x80;
	s22 =	simm.s32 $0x13980  }
0x5: {  	s23 =	simm.s32 $0x3;
	s28 =	simm.s32 $0x5;
	s29 =	simm.s32 $0x6  }
0x6: {  	s30 =	simm.s32 $0x0;
	s1 =	sand.u32 $0x1, s1;
	s11 =	smul.u32 $0x2800, s15  }
0x7: {  	s4 =	sshll.u32 s15, $0x1;
	[smem:$0x7FF] =	sst s3;
	s16 =	smul.u32 $0x140000, s15  }
0x8: {  	s14 =	sadd.s32 $0xC00, s0;
	s0 =	sadd.s32 $0x514C00, s0;
	s12 =	smul.u32 $0x1400, s1  }
0x9: {  	s4 =	sor.u32 s1, s4;
	s6 =	ssub.s32 $0x2, s1;
	s1 =	smul.u32 $0xA0000, s1  }
0xa: {  	p0 =	sne.s32 s15, $0x0;
	s5 =	smul.u32 $0x1400, s4;
	s7 =	sshrl.u32 s6, $0x1  }
0xb: {  	_ =	strace $0x8000004D;
	s8 =	smul.u32 $0xA0000, s4;
	s7 =	ssub.s32 s6, s7  }
0xc: {  	s13 =	sadd.s32 s12, s11;
	s1 =	sadd.s32 s1, s16;
	s5 =	sshrl.u32 s5, $0x3  }
0xd: {  	s25 =	sshrl.u32 s8, $0x3;
	s7 =	smax.u32 s7, $0x1;
	s17 =	sadd.s32 $0x28280, s13  }
0xe: {  	s18 =	sadd.s32 $0x28200, s13;
	s16 =	sor.u32 $0x8000, s1;
	s1 =	sor.u32 $0xC000, s1  }
0xf: {  	s10 =	sadd.s32 s14, s5;
	s6 =	sadd.s32 s0, s25;
	s17 =	sshrl.u32 s17, $0x3  }
0x10: {  	s31 =	sshrl.u32 s18, $0x3;
	s16 =	sshrl.u32 s16, $0x3;
	s1 =	sshrl.u32 s1, $0x3  }
0x11: {  	s18 =	simm.s32 $0x13880;
	s25 =	simm.s32 $0x17980;
	s24 =	sadd.s32 $0x5000, s10  }
0x12: {  	s26 =	sadd.s32 $0x5010, s10;
	s8 =	sadd.s32 $0x5020, s10;
	s9 =	sadd.s32 $0x800, s6  }
0x13: {  	s10 =	sadd.s32 $0x5030, s10;
	s11 =	sadd.s32 $0x13000, s6;
	s12 =	sadd.s32 $0x13800, s6  }
0x14: {  	s13 =	sadd.s32 s17, s14;
	s14 =	sadd.s32 s31, s14;
	s15 =	sadd.s32 s16, s0  }
0x15: {  	s16 =	sadd.s32 s1, s0;
	s17 =	sshrl.u32 @!p0 s2, $0x3;
	[dreg:$0x4] =	wrdreg s24  }
0x16: {  	[dreg:$0x5] =	wrdreg s26;
	s24 =	simm.s32 $0x2;
	s26 =	simm.s32 $0x4  }
.LBB2_1:
0x17: {  	s0 =	simm.s32 @!p0 $0x1C07;
	s1 =	rddreg [dreg:$0x0]  }
0x18: {  	[spmem:s17], [sflag:s0] =	dma.local @!p0 [hbm:s1], $0x27100  }
0x19: {  	s0 =	simm.s32 @!p0 $0x7  }
0x1a: {  	_ =	swait.ge @!p0 [sflag:s0], $0x27100  }
0x1b: {  	[sflag:s0] =	ssyncset.done @!p0 $0x0  }
0x1c: {  	[sflag:s0] =	ssyncadd.s32 @!p0 $0xFFFD8F00  }
0x1d: {  	[bflag:$0x0] =	sbarrier.arrive $0xFFFF  }
0x1e: {  	s5 =	rddreg [dreg:$0x4]  }
0x1f: {  	[tilespmem:s18], [sflag:$0x1] =	stream.linear.gather [hbm4b:s5+s3], $0x80, $0x38;
	[tilespmem:$0x1B980] =	vst v63  }
0x20: {  	s1 =	rddreg [dreg:$0x5]  }
0x21: {  	[tilespmem:s19], [sflag:$0x2] =	stream.linear.gather [hbm4b:s1+s3], $0x80, $0x38;
	[tilespmem:$0x1B980] =	vst v63  }
0x22: {  	_ =	swait.ge [sflag:s20], $0x80  }
0x23: {  	[sflag:s20] =	ssyncset.done $0x0  }
0x24: {  	[sflag:s20] =	ssyncadd.s32 $0xFFFFFF80  }
0x25: {  	[tilespmem:s22], [sflag:$0x3] =	stream.indirect.gather [spmem:s2], $0x80, s18, s21, $0xb8;
	[tilespmem:$0x1B980] =	vst v63  }
0x26: {  	_ =	swait.ge [sflag:s23], $0x4000  }
0x27: {  	[sflag:s23] =	ssyncset.done $0x0  }
0x28: {  	[sflag:s23] =	ssyncadd.s32 $0xFFFFC000  }
0x29: {  	[hbm4b:s6+s3] =	stream.linear.scatter [tilespmem:s22], [sflag:$0x5], $0x4000, $0x38;
	[tilespmem:$0x1B980] =	vst v63  }
0x2a: {  	_ = 	snop  }
0x2b: {  	[tilespmem:s18], [sflag:$0x1] =	stream.linear.gather [hbm4b:s8+s3], $0x80, $0x38;
	[tilespmem:$0x1B980] =	vst v63  }
0x2c: {  	_ =	swait.ge [sflag:s24], $0x80  }
0x2d: {  	[sflag:s24] =	ssyncset.done $0x0  }
0x2e: {  	[sflag:s24] =	ssyncadd.s32 $0xFFFFFF80  }
0x2f: {  	[tilespmem:s25], [sflag:$0x4] =	stream.indirect.gather [spmem:s2], $0x80, s19, s21, $0xb8;
	[tilespmem:$0x1B980] =	vst v63  }
0x30: {  	_ =	swait.ge [sflag:s26], $0x4000  }
0x31: {  	[sflag:s26] =	ssyncset.done $0x0  }
0x32: {  	[sflag:s26] =	ssyncadd.s32 $0xFFFFC000  }
0x33: {  	[hbm4b:s9+s3] =	stream.linear.scatter [tilespmem:s25], [sflag:$0x6], $0x4000, $0x38;
	[tilespmem:$0x1B980] =	vst v63  }
0x34: {  	_ = 	snop  }
0x35: {  	[tilespmem:s19], [sflag:$0x2] =	stream.linear.gather [hbm4b:s10+s3], $0x80, $0x38;
	[tilespmem:$0x1B980] =	vst v63  }
0x36: {  	_ =	swait.ge [sflag:s20], $0x80  }
0x37: {  	[sflag:s20] =	ssyncset.done $0x0  }
0x38: {  	[sflag:s20] =	ssyncadd.s32 $0xFFFFFF80  }
0x39: {  	_ =	swait.ge [sflag:s28], $0x4000  }
0x3a: {  	[sflag:s28] =	ssyncset.done $0x0  }
0x3b: {  	[sflag:s28] =	ssyncadd.s32 $0xFFFFC000  }
0x3c: {  	[tilespmem:s22], [sflag:$0x3] =	stream.indirect.gather [spmem:s2], $0x80, s18, s21, $0xb8;
	[tilespmem:$0x1B980] =	vst v63  }
0x3d: {  	_ =	swait.ge [sflag:s23], $0x4000  }
0x3e: {  	[sflag:s23] =	ssyncset.done $0x0  }
0x3f: {  	[sflag:s23] =	ssyncadd.s32 $0xFFFFC000  }
0x40: {  	[hbm4b:s15+s3] =	stream.linear.scatter [tilespmem:s22], [sflag:$0x5], $0x4000, $0x38;
	[tilespmem:$0x1B980] =	vst v63  }
0x41: {  	s4 =	sadd.s32 $0x0, s14  }
0x42: {  	[tilespmem:s18], [sflag:$0x1] =	stream.linear.gather [hbm4b:s4+s3], $0x80, $0x38;
	[tilespmem:$0x1B980] =	vst v63  }
0x43: {  	_ =	swait.ge [sflag:s24], $0x80  }
0x44: {  	[sflag:s24] =	ssyncset.done $0x0  }
0x45: {  	[sflag:s24] =	ssyncadd.s32 $0xFFFFFF80  }
0x46: {  	_ =	swait.ge [sflag:s29], $0x4000  }
0x47: {  	[sflag:s29] =	ssyncset.done $0x0  }
0x48: {  	[sflag:s29] =	ssyncadd.s32 $0xFFFFC000  }
0x49: {  	[tilespmem:s25], [sflag:$0x4] =	stream.indirect.gather [spmem:s2], $0x80, s19, s21, $0xb8;
	[tilespmem:$0x1B980] =	vst v63  }
0x4a: {  	_ =	swait.ge [sflag:s26], $0x4000  }
0x4b: {  	[sflag:s26] =	ssyncset.done $0x0  }
0x4c: {  	[sflag:s26] =	ssyncadd.s32 $0xFFFFC000  }
0x4d: {  	[hbm4b:s16+s3] =	stream.linear.scatter [tilespmem:s25], [sflag:$0x6], $0x4000, $0x38;
	[tilespmem:$0x1B980] =	vst v63  }
0x4e: {  	s5 =	sadd.s32 $0x0, s13  }
0x4f: {  	[tilespmem:s19], [sflag:$0x2] =	stream.linear.gather [hbm4b:s5+s3], $0x80, $0x38;
	[tilespmem:$0x1B980] =	vst v63  }
0x50: {  	_ =	swait.ge [sflag:s20], $0x80  }
0x51: {  	[sflag:s20] =	ssyncset.done $0x0  }
0x52: {  	[sflag:s20] =	ssyncadd.s32 $0xFFFFFF80  }
0x53: {  	_ =	swait.ge [sflag:s28], $0x4000  }
0x54: {  	s31 =	simm.s32 $0x20;
	[sflag:s28] =	ssyncset.done $0x0  }
0x55: {  	s0 =	sadd.s32 $0x1000, s16;
	s1 =	sadd.s32 $0x1000, s15;
	[sflag:s28] =	ssyncadd.s32 $0xFFFFC000  }
.LBB2_2:
0x56: {  	[tilespmem:s22], [sflag:$0x3] =	stream.indirect.gather [spmem:s2], $0x80, s18, s21, $0xb8;
	[tilespmem:$0x1B980] =	vst v63  }
0x57: {  	s4 =	smov.u32 s31  }
0x58: {  	p1 =	sne.s32 s31, $0x220;
	s31 =	sadd.s32 $0x20, s31;
	_ =	swait.ge [sflag:s23], $0x4000  }
0x59: {  	[sflag:s23] =	ssyncset.done $0x0  }
0x5a: {  	[sflag:s23] =	ssyncadd.s32 $0xFFFFC000  }
0x5b: {  	[hbm4b:s1+s3] =	stream.linear.scatter [tilespmem:s22], [sflag:$0x5], $0x4000, $0x38;
	[tilespmem:$0x1B980] =	vst v63  }
0x5c: {  	s5 =	sadd.s32 s4, s14  }
0x5d: {  	[tilespmem:s18], [sflag:$0x1] =	stream.linear.gather [hbm4b:s5+s3], $0x80, $0x38;
	[tilespmem:$0x1B980] =	vst v63  }
0x5e: {  	_ =	swait.ge [sflag:s24], $0x80  }
0x5f: {  	[sflag:s24] =	ssyncset.done $0x0  }
0x60: {  	[sflag:s24] =	ssyncadd.s32 $0xFFFFFF80  }
0x61: {  	_ =	swait.ge [sflag:s29], $0x4000  }
0x62: {  	[sflag:s29] =	ssyncset.done $0x0  }
0x63: {  	[sflag:s29] =	ssyncadd.s32 $0xFFFFC000  }
0x64: {  	[tilespmem:s25], [sflag:$0x4] =	stream.indirect.gather [spmem:s2], $0x80, s19, s21, $0xb8;
	[tilespmem:$0x1B980] =	vst v63  }
0x65: {  	_ =	swait.ge [sflag:s26], $0x4000  }
0x66: {  	[sflag:s26] =	ssyncset.done $0x0  }
0x67: {  	[sflag:s26] =	ssyncadd.s32 $0xFFFFC000  }
0x68: {  	[hbm4b:s0+s3] =	stream.linear.scatter [tilespmem:s25], [sflag:$0x6], $0x4000, $0x38;
	[tilespmem:$0x1B980] =	vst v63  }
0x69: {  	s4 =	sadd.s32 s4, s13  }
0x6a: {  	[tilespmem:s19], [sflag:$0x2] =	stream.linear.gather [hbm4b:s4+s3], $0x80, $0x38;
	[tilespmem:$0x1B980] =	vst v63  }
0x6b: {  	_ =	swait.ge [sflag:s20], $0x80  }
.Ltmp0:
0x6c: {  	[sflag:s20] =	ssyncset.done $0x0;
	(pc) =	sbr.rel @p1 .LBB2_2-.Ltmp0, $4  }
0x6d: {  	[sflag:s20] =	ssyncadd.s32 $0xFFFFFF80  }
0x6e: {  	_ =	swait.ge [sflag:s28], $0x4000  }
0x6f: {  	[sflag:s28] =	ssyncset.done $0x0  }
0x70: {  	s1 =	sadd.s32 $0x1000, s1;
	s0 =	sadd.s32 $0x1000, s0;
	[sflag:s28] =	ssyncadd.s32 $0xFFFFC000  }
0x71: {  	[tilespmem:s22], [sflag:$0x3] =	stream.indirect.gather [spmem:s2], $0x80, s18, s21, $0xb8;
	[tilespmem:$0x1B980] =	vst v63  }
0x72: {  	_ =	swait.ge [sflag:s23], $0x4000  }
0x73: {  	[sflag:s23] =	ssyncset.done $0x0  }
0x74: {  	[sflag:s23] =	ssyncadd.s32 $0xFFFFC000  }
0x75: {  	[hbm4b:s11+s3] =	stream.linear.scatter [tilespmem:s22], [sflag:$0x5], $0x4000, $0x38;
	[tilespmem:$0x1B980] =	vst v63  }
0x76: {  	_ =	swait.ge [sflag:s24], $0x80  }
0x77: {  	[sflag:s24] =	ssyncset.done $0x0  }
0x78: {  	[sflag:s24] =	ssyncadd.s32 $0xFFFFFF80  }
0x79: {  	_ =	swait.ge [sflag:s29], $0x4000  }
0x7a: {  	[sflag:s29] =	ssyncset.done $0x0  }
0x7b: {  	[sflag:s29] =	ssyncadd.s32 $0xFFFFC000  }
0x7c: {  	[tilespmem:s25], [sflag:$0x4] =	stream.indirect.gather [spmem:s2], $0x80, s19, s21, $0xb8;
	[tilespmem:$0x1B980] =	vst v63  }
0x7d: {  	_ =	swait.ge [sflag:s26], $0x4000  }
0x7e: {  	[sflag:s26] =	ssyncset.done $0x0  }
0x7f: {  	s30 =	sadd.s32 $0x1, s30;
	[sflag:s26] =	ssyncadd.s32 $0xFFFFC000  }
0x80: {  	[hbm4b:s12+s3] =	stream.linear.scatter [tilespmem:s25], [sflag:$0x6], $0x4000, $0x38;
	[tilespmem:$0x1B980] =	vst v63  }
0x81: {  	p1 =	sne.s32 s30, s7;
	_ =	swait.ge [sflag:s28], $0x4000  }
.Ltmp1:
0x82: {  	[sflag:s28] =	ssyncset.done $0x0;
	(pc) =	sbr.rel @p1 .LBB2_1-.Ltmp1, $4  }
0x83: {  	[sflag:s28] =	ssyncadd.s32 $0xFFFFC000  }
0x84: {  	_ =	swait.ge [sflag:s29], $0x4000  }
0x85: {  	[sflag:s29] =	ssyncset.done $0x0  }
0x86: {  	[sflag:s29] =	ssyncadd.s32 $0xFFFFC000  }
0x87: {  	_ =	sfence.sel $0x180000  }
0x88: {  	[bflag:$0x0] =	sbarrier.arrive $0xFFFF  }
0x89: {  	_ =	strace $0x9000004D  }
0x8a: {  	[bflag:$0x2] =	sbarrier.arrive $0xFFFF  }
0x8b: {  	s0 =	rddreg [dreg:$0x3]  }
0x8c: {  	s0 =	sadd.s32 @!p0 $0x100000, s0  }
0x8d: {  	[sflag:s0] =	ssyncadd.tile.s32 @!p0 $0x1;
	_ =	shalt  }
.Lfunc_end2:
_tile_overlayer_lowered:
.L_overlay_start_2:
0x8e: {  	(tag) =	ssettag $0x2  }
0x8f: {  	s0 =	rddreg [dreg:$0x0];
	s2 =	stileid.u32  }
0x90: {  	s1 =	rddreg [dreg:$0x1];
	p0 =	sne.s32 s2, $0x0  }
0x91: {  	s3 =	rddreg [dreg:$0x2];
	[bflag:$0x3] =	sbarrier.arrive $0xFFFF;
	s2 =	simm.s32 @!p0 $0x1C07  }
0x92: {  	[timem:s3], [sflag:s2] =	dma.local @!p0 [hbm:s0], s1  }
0x93: {  	s0 =	simm.s32 @!p0 $0x7  }
0x94: {  	_ =	swait.ge @!p0 [sflag:s0], s1  }
0x95: {  	s1 =	ssub.s32 @!p0 $0x0, s1;
	[sflag:s0] =	ssyncset.done @!p0 $0x0  }
0x96: {  	[sflag:s0] =	ssyncadd.s32 @!p0 s1  }
0x97: {  	[bflag:$0x3] =	sbarrier.arrive $0xFFFF  }
0x98: {  	_ =	shalt  }

// kernel: kernel.16.cloned.1.call-start
scs
__scs_entry_jumppad:
0x0: {  	(pc) =	sbr.rel $0x88, $3  }
0x1: {  	(tag) =	ssettag $0x0;
	lr =	simm.s32 $0x1  }
0x2: {  	[smem:$0x3F9D] =	sst lr;
	_ =	strace $0xD0000000  }
0x3: {  	_ = 	snop  }
0x4: {  	_ = 	snop  }
0x5: {  	_ = 	snop  }
0x6: {  	_ = 	snop  }
0x7: {  	_ = 	snop  }
__scs_overlays_trampoline_lowered:
0x8: {  	[smem:$0x3FAC] =	sst s0  }
0x9: {  	[smem:$0x3FAD] =	sst s1  }
0xa: {  	[smem:$0x3FAE] =	sst s2  }
0xb: {  	[smem:$0x3FAF] =	sst s3  }
0xc: {  	[smem:$0x3FB0] =	sst s4  }
0xd: {  	[smem:$0x3FB1] =	sst s5  }
0xe: {  	[smem:$0x3FB2] =	sst s6  }
0xf: {  	[smem:$0x3FB3] =	sst s7  }
0x10: {  	[smem:$0x3FB4] =	sst s8  }
0x11: {  	[smem:$0x3FB5] =	sst s9;
	s0 =	simm.s32 @!p0 $0x0  }
0x12: {  	s1 =	sld [smem:$0x3F9B];
	s0 =	simm.s32 @p0 $0x1  }
0x13: {  	[smem:$0x3FB6] =	sst s0;
	s0 =	simm.s32 @!p1 $0x0  }
0x14: {  	s2 =	sld [smem:$0x3F9A];
	s0 =	simm.s32 @p1 $0x1  }
0x15: {  	[smem:$0x3FB7] =	sst s0;
	s0 =	simm.s32 @!p2 $0x0  }
0x16: {  	s3 =	sld [smem:$0x3FDB];
	s0 =	simm.s32 @p2 $0x1  }
0x17: {  	s4 =	simm.s32 $0x1BF5;
	[smem:$0x3FB9] =	sst s0  }
0x18: {  	s0 =	sld [smem:$0x3F9C];
	_ =	swait.ge [sflag:s4], $0x0  }
0x19: {  	s7 =	sld [smem:$0x3F9D]  }
0x1a: {  	s8 =	sadd.s32 $0xFFFFE003, lr  }
0x1b: {  	s9 =	sadd.s32 $0xFFFFFEF7, lr;
	s5 =	simm.s32 $0xFFFFFFFF;
	p2 =	slt.u32 s8, $0xFFFFF086  }
0x1c: {  	p1 =	slt.u32 s9, $0xF7A;
	s5 =	simm.s32 @!p2 $0x0  }
0x1d: {  	s5 =	simm.s32 @p1 $0x1;
	p0 =	seq.s32 s7, s2  }
0x1e: {  	s7 =	smul.u32 @!p0 $0xF7A, s2;
	p2 =	seq.s32 @!p0 s5, $0x0  }
0x1f: {  	s9 =	smul.u32 $0xF7A, s1;
	s8 =	simm.s32 @!p0 $0x1BF5;
	p2 =	por !p2, p0  }
0x20: {  	[sflag:s8] =	ssyncset.s32 @!p0 $0xFFFFF086;
	s6 =	sadd.s32 @!p0 s3, s7;
	s7 =	simm.s32 @!p0 $0x108  }
0x21: {  	s3 =	sadd.s32 s3, s9;
	s6 =	sadd.s32 @!p0 $0x88, s6;
	s7 =	simm.s32 @p2 $0x1082  }
0x22: {  	[simem:s7], [sflag:s8] =	dma.local @!p0 [hbm:s6], $0xF7A  }
0x23: {  	s9 =	sor.u32 $0xD0000000, s2;
	s6 =	simm.s32 $0x108;
	_ =	swait.ge @!p0 [sflag:s8], $0x0  }
0x24: {  	s3 =	sadd.s32 $0x88, s3;
	s6 =	simm.s32 @!p1 $0x1082;
	[sflag:s4] =	ssyncset.s32 $0xFFFFF086  }
0x25: {  	[simem:s6], [sflag:s4] =	dma.local [hbm:s3], $0xF7A  }
0x26: {  	[smem:$0x3F9D] =	sst s1;
	(tag) =	ssettag s2;
	_ =	strace s9  }
0x27: {  	s1 =	sld [smem:$0x3FAD]  }
0x28: {  	s2 =	sld [smem:$0x3FAE]  }
0x29: {  	s4 =	sld [smem:$0x3FB0]  }
0x2a: {  	p0 =	seq.s32 s5, $0x0;
	s5 =	sld [smem:$0x3FB1]  }
0x2b: {  	s6 =	sld [smem:$0x3FB2]  }
0x2c: {  	s7 =	sld [smem:$0x3FB3]  }
0x2d: {  	s3 =	simm.s32 $0x108;
	s8 =	sld [smem:$0x3FB4]  }
0x2e: {  	s3 =	simm.s32 @!p0 $0x1082;
	s9 =	sld [smem:$0x3FB5]  }
0x2f: {  	lr =	sadd.s32 s0, s3;
	s0 =	sld [smem:$0x3FAC]  }
0x30: {  	s3 =	sld [smem:$0x3FAF]  }
0x31: {  	[smem:$0x3FB8] =	sst s10  }
0x32: {  	s10 =	sld [smem:$0x3FB6];
	_ =	sdelay $0x3  }
0x33: {  	p0 =	seq.s32 s10, $0x1;
	s10 =	sld [smem:$0x3FB8];
	_ =	sdelay $0x3  }
0x34: {  	[smem:$0x3FB8] =	sst s10  }
0x35: {  	s10 =	sld [smem:$0x3FB7];
	_ =	sdelay $0x3  }
0x36: {  	p1 =	seq.s32 s10, $0x1;
	s10 =	sld [smem:$0x3FB8];
	_ =	sdelay $0x3  }
0x37: {  	[smem:$0x3FB8] =	sst s10  }
0x38: {  	s10 =	sld [smem:$0x3FB9]  }
0x39: {  	_ = 	snop;
	(pc) =	sbr.ind lr, $3  }
0x3a: {  	_ = 	snop  }
0x3b: {  	_ = 	snop  }
0x3c: {  	p2 =	seq.s32 s10, $0x1;
	s10 =	sld [smem:$0x3FB8]  }
0x3d: {  	_ =	shalt  }
0x3e: {  	_ =	shalt  }
0x3f: {  	_ =	shalt  }
0x40: {  	_ =	shalt  }
0x41: {  	_ =	shalt  }
0x42: {  	_ =	shalt  }
0x43: {  	_ =	shalt  }
0x44: {  	_ =	shalt  }
0x45: {  	_ =	shalt  }
0x46: {  	_ =	shalt  }
0x47: {  	_ =	shalt  }
0x48: {  	_ =	shalt  }
0x49: {  	_ =	shalt  }
0x4a: {  	_ =	shalt  }
0x4b: {  	_ =	shalt  }
0x4c: {  	_ =	shalt  }
0x4d: {  	_ =	shalt  }
0x4e: {  	_ =	shalt  }
0x4f: {  	_ =	shalt  }
0x50: {  	_ =	shalt  }
0x51: {  	_ =	shalt  }
0x52: {  	_ =	shalt  }
0x53: {  	_ =	shalt  }
0x54: {  	_ =	shalt  }
0x55: {  	_ =	shalt  }
0x56: {  	_ =	shalt  }
0x57: {  	_ =	shalt  }
0x58: {  	_ =	shalt  }
0x59: {  	_ =	shalt  }
0x5a: {  	_ =	shalt  }
0x5b: {  	_ =	shalt  }
0x5c: {  	_ =	shalt  }
0x5d: {  	_ =	shalt  }
0x5e: {  	_ =	shalt  }
0x5f: {  	_ =	shalt  }
0x60: {  	_ =	shalt  }
0x61: {  	_ =	shalt  }
0x62: {  	_ =	shalt  }
0x63: {  	_ =	shalt  }
0x64: {  	_ =	shalt  }
0x65: {  	_ =	shalt  }
0x66: {  	_ =	shalt  }
0x67: {  	_ =	shalt  }
0x68: {  	_ =	shalt  }
0x69: {  	_ =	shalt  }
0x6a: {  	_ =	shalt  }
0x6b: {  	_ =	shalt  }
0x6c: {  	_ =	shalt  }
0x6d: {  	_ =	shalt  }
0x6e: {  	_ =	shalt  }
0x6f: {  	_ =	shalt  }
0x70: {  	_ =	shalt  }
0x71: {  	_ =	shalt  }
0x72: {  	_ =	shalt  }
0x73: {  	_ =	shalt  }
0x74: {  	_ =	shalt  }
0x75: {  	_ =	shalt  }
0x76: {  	_ =	shalt  }
0x77: {  	_ =	shalt  }
0x78: {  	_ =	shalt  }
0x79: {  	_ =	shalt  }
0x7a: {  	_ =	shalt  }
0x7b: {  	_ =	shalt  }
0x7c: {  	_ =	shalt  }
0x7d: {  	_ =	shalt  }
0x7e: {  	_ =	shalt  }
0x7f: {  	_ =	shalt  }
0x80: {  	_ =	shalt  }
0x81: {  	_ =	shalt  }
0x82: {  	_ =	shalt  }
0x83: {  	_ =	shalt  }
0x84: {  	_ =	shalt  }
0x85: {  	_ =	shalt  }
0x86: {  	_ =	shalt  }
0x87: {  	_ =	shalt  }
.Lfunc_end0:
.L_simem_size_0:
called_computation.2_lowered:
.L_overlay_start_0:
0x88: {  	s2 =	sld [smem:$0x3FD9]  }
0x89: {  	s3 =	sld [smem:$0x3FFE];
	_ =	sdelay $0x1  }
0x8a: {  	s1 =	srdreg.scid  }
0x8b: {  	s0 =	sand.u32 $0x1, s1  }
0x8c: {  	s17 =	sshll.u32 s0, $0xA;
	s2 =	sadd.s32 s3, s2  }
0x8d: {  	s2 =	sadd.s32 s2, s17  }
0x8e: {  	[smem:$0x3FC4] =	sst s2  }
0x8f: {  	_ = 	snop  }
0x90: {  	s18 =	sld [smem:$0x3FC9];
	(tm) =	ssettm $0x1  }
0x91: {  	s19 =	sld [smem:$0x3FFB];
	_ =	sdelay $0x3  }
0x92: {  	_ =	strace s19  }
0x93: {  	s2 =	sld [smem:$0x3FFC];
	_ =	sdelay $0x3  }
0x94: {  	_ =	strace s2  }
0x95: {  	s2 =	sld [smem:$0x3FFD];
	_ =	sdelay $0x3  }
0x96: {  	_ =	strace s2  }
0x97: {  	_ =	strace $0x8FFFFFFF  }
0x98: {  	s20 =	sld [smem:$0x3FDB];
	_ =	sdelay $0x1  }
0x99: {  	s4 =	simm.s32 $_scs_section_size  }
0x9a: {  	s5 =	simm.s32 $_size__tile_overlayer_lowered;
	s6 =	simm.s32 $_tile_overlayer_lowered  }
0x9b: {  	s7 =	simm.s32 $0x1BFF;
	s21 =	sshll.u32 s6, $0x1;
	s4 =	sadd.s32 s4, s20  }
0x9c: {  	s22 =	simm.s32 $0x0;
	s5 =	sshll.u32 s5, $0x1;
	s6 =	sadd.s32 s21, s4  }
0x9d: {  	[timem:s22], [sflag:s7] =	dma.local [hbm:s6], s5  }
0x9e: {  	_ =	swait.ge [sflag:s7], s5  }
0x9f: {  	s5 =	ssub.s32 $0x0, s5;
	[sflag:s7] =	ssyncset.done $0x0  }
0xa0: {  	[sflag:s7] =	ssyncadd.s32 s5;
	_ =	sdelay $0x1  }
0xa1: {  	s23 =	simm.s32 $0x1B8B  }
0xa2: {  	_ =	swait.ge [sflag:s23], $0x1  }
0xa3: {  	[sflag:s23] =	ssyncset.done $0x0  }
0xa4: {  	[sflag:s23] =	ssyncadd.s32 $0xFFFFFFFF  }
0xa5: {  	s5 =	sld [smem:$0x0]  }
0xa6: {  	s6 =	sand.u32 $0xFFFFFFFE, s1  }
0xa7: {  	p0 =	sne.s32 s1, s6  }
0xa8: {  	s6 =	sshll.u32 @p0 s6, $0xE  }
0xa9: {  	s6 =	sadd.s32 @p0 $0x11B8D, s6;
	s7 =	sshll.u32 @p0 s5, $0x11  }
0xaa: {  	s6 =	sor.u32 @p0 s7, s6  }
0xab: {  	[sflag:s6] =	ssyncadd.remote.s32 @p0 $0x1;
	_ =	sdelay $0x1  }
0xac: {  	s6 =	simm.s32 @p0 $0x1B8D  }
0xad: {  	_ =	swait.eq @p0 [sflag:s6], $0x1  }
0xae: {  	[sflag:s6] =	ssyncadd.s32 @p0 $0xFFFFFFFF  }
0xaf: {  	s7 =	sshll.u32 @!p0 s1, $0xE  }
0xb0: {  	s7 =	sor.u32 @!p0 $0x4000, s7;
	s6 =	simm.s32 @!p0 $0x1B8D  }
0xb1: {  	s5 =	sshll.u32 @!p0 s5, $0x11;
	s7 =	sadd.s32 @!p0 $0x11B8D, s7;
	_ =	swait.eq @!p0 [sflag:s6], $0x1  }
0xb2: {  	s5 =	sor.u32 @!p0 s5, s7;
	[sflag:s6] =	ssyncadd.s32 @!p0 $0xFFFFFFFF  }
0xb3: {  	s25 =	simm.s32 $0x1B8E;
	s24 =	sld [smem:$0x3FFE];
	[sflag:s5] =	ssyncadd.remote.s32 @!p0 $0x1  }
0xb4: {  	s26 =	simm.s32 $execute0_lowered;
	[smem:$0x3FD2] =	sst s25  }
0xb5: {  	s6 =	sshll.u32 s26, $0x1;
	_ =	strace $0x80000049;
	[dreg:$0x1] =	wrdreg $0xFFFFFFFF  }
0xb6: {  	s28 =	simm.s32 $_size_execute0_lowered;
	s4 =	sadd.s32 s4, s6;
	[dreg:$0x0] =	wrdreg $0x0  }
0xb7: {  	s6 =	sshll.u32 s28, $0x1;
	[dreg:$0x2] =	wrdreg s4  }
0xb8: {  	[dreg:$0x3] =	wrdreg s6  }
0xb9: {  	[dreg:$0x4] =	wrdreg $0xC0  }
0xba: {  	_ =	task [dreg:s22], $0x5FFFF  }
0xbb: {  	[dreg:$0x1] =	wrdreg $0xFFFFFFFF  }
0xbc: {  	[dreg:$0x0] =	wrdreg $0x60  }
0xbd: {  	[dreg:$0x2] =	wrdreg s18  }
0xbe: {  	[dreg:$0x3] =	wrdreg s24  }
0xbf: {  	[dreg:$0x4] =	wrdreg $0x0  }
0xc0: {  	[dreg:$0x5] =	wrdreg $0xB  }
0xc1: {  	_ =	task.clear_ibuf [dreg:s22], $0x6FFFF;
	_ =	strace $0x90000049  }
0xc2: {  	s29 =	simm.s32 $0xB;
	_ =	strace $0x8000004B  }
0xc3: {  	_ =	swait.ge [sflag:s29], $0x1  }
0xc4: {  	[sflag:s29] =	ssyncadd.s32 $0xFFFFFFFF  }
0xc5: {  	_ =	strace $0x9000004B  }
0xc6: {  	_ =	sfence  }
0xc7: {  	s30 =	sld [smem:$0x0];
	_ =	sdelay $0x2  }
0xc8: {  	s31 =	sshll.u32 s1, $0xD;
	s1 =	sshrl.u32 s1, $0x2  }
0xc9: {  	s4 =	sand.u32 $0x4000, s31;
	s1 =	sadd.s32 s1, s30  }
0xca: {  	s0 =	sor.u32 s4, s0;
	s1 =	sshll.u32 s1, $0x11  }
0xcb: {  	s0 =	sor.u32 s1, s0  }
0xcc: {  	s0 =	sadd.s32 $0x8F2B, s0  }
0xcd: {  	[sflag:s0] =	ssyncadd.remote.s32 $0x1  }
0xce: {  	_ =	sfence.sel $0xFFFF  }
0xcf: {  	[dreg:$0x0] =	wrdreg $0xFFFFFFFF;
	(pc) =	sbr.abs _section_cstart, $3  }
0xd0: {  	[dreg:$0x1] =	wrdreg $0xFFFFFFFF  }
0xd1: {  	_ =	task.clear_ibuf [dreg:s22], $0x2FFFF;
	_ =	strace $0x9FFFFFFF  }
0xd2: {  	(tm) =	ssettm $0x7FFFFFFF  }
0xd3: {  	_ =	shalt  }
tec
execute0_lowered:
.L_overlay_start_1:
0x0: {  	(tag) =	ssettag $0x1  }
0x1: {  	s0 =	rddreg [dreg:$0x1]  }
0x2: {  	s1 =	srdreg.scid;
	s15 =	stileid.u32  }
0x3: {  	s2 =	rddreg [dreg:$0x2];
	s3 =	simm.s32 $0x0;
	s19 =	simm.s32 $0x13900  }
0x4: {  	s20 =	simm.s32 $0x1;
	s21 =	simm.s32 $0x80;
	s22 =	simm.s32 $0x13980  }
0x5: {  	s23 =	simm.s32 $0x3;
	s28 =	simm.s32 $0x5;
	s29 =	simm.s32 $0x6  }
0x6: {  	s30 =	simm.s32 $0x0;
	s1 =	sand.u32 $0x1, s1;
	s11 =	smul.u32 $0x2800, s15  }
0x7: {  	s4 =	sshll.u32 s15, $0x1;
	[smem:$0x7FF] =	sst s3;
	s16 =	smul.u32 $0x140000, s15  }
0x8: {  	s14 =	sadd.s32 $0xC00, s0;
	s0 =	sadd.s32 $0x294C00, s0;
	s12 =	smul.u32 $0x1400, s1  }
0x9: {  	s4 =	sor.u32 s1, s4;
	s6 =	ssub.s32 $0x2, s1;
	s1 =	smul.u32 $0xA0000, s1  }
0xa: {  	p0 =	sne.s32 s15, $0x0;
	s5 =	smul.u32 $0x1400, s4;
	s7 =	sshrl.u32 s6, $0x1  }
0xb: {  	_ =	strace $0x8000004A;
	s8 =	smul.u32 $0xA0000, s4;
	s7 =	ssub.s32 s6, s7  }
0xc: {  	s13 =	sadd.s32 s12, s11;
	s1 =	sadd.s32 s1, s16;
	s5 =	sshrl.u32 s5, $0x3  }
0xd: {  	s25 =	sshrl.u32 s8, $0x3;
	s7 =	smax.u32 s7, $0x1;
	s17 =	sadd.s32 $0x50280, s13  }
0xe: {  	s18 =	sadd.s32 $0x50200, s13;
	s16 =	sor.u32 $0x8000, s1;
	s1 =	sor.u32 $0xC000, s1  }
0xf: {  	s10 =	sadd.s32 s14, s5;
	s6 =	sadd.s32 s0, s25;
	s17 =	sshrl.u32 s17, $0x3  }
0x10: {  	s31 =	sshrl.u32 s18, $0x3;
	s16 =	sshrl.u32 s16, $0x3;
	s1 =	sshrl.u32 s1, $0x3  }
0x11: {  	s18 =	simm.s32 $0x13880;
	s25 =	simm.s32 $0x17980;
	s24 =	sadd.s32 $0xA000, s10  }
0x12: {  	s26 =	sadd.s32 $0xA010, s10;
	s8 =	sadd.s32 $0xA020, s10;
	s9 =	sadd.s32 $0x800, s6  }
0x13: {  	s10 =	sadd.s32 $0xA030, s10;
	s11 =	sadd.s32 $0x13000, s6;
	s12 =	sadd.s32 $0x13800, s6  }
0x14: {  	s13 =	sadd.s32 s17, s14;
	s14 =	sadd.s32 s31, s14;
	s15 =	sadd.s32 s16, s0  }
0x15: {  	s16 =	sadd.s32 s1, s0;
	s17 =	sshrl.u32 @!p0 s2, $0x3;
	[dreg:$0x4] =	wrdreg s24  }
0x16: {  	[dreg:$0x5] =	wrdreg s26;
	s24 =	simm.s32 $0x2;
	s26 =	simm.s32 $0x4  }
.LBB2_1:
0x17: {  	s0 =	simm.s32 @!p0 $0x1C07;
	s1 =	rddreg [dreg:$0x0]  }
0x18: {  	[spmem:s17], [sflag:s0] =	dma.local @!p0 [hbm:s1], $0x27100  }
0x19: {  	s0 =	simm.s32 @!p0 $0x7  }
0x1a: {  	_ =	swait.ge @!p0 [sflag:s0], $0x27100  }
0x1b: {  	[sflag:s0] =	ssyncset.done @!p0 $0x0  }
0x1c: {  	[sflag:s0] =	ssyncadd.s32 @!p0 $0xFFFD8F00  }
0x1d: {  	[bflag:$0x0] =	sbarrier.arrive $0xFFFF  }
0x1e: {  	s5 =	rddreg [dreg:$0x4]  }
0x1f: {  	[tilespmem:s18], [sflag:$0x1] =	stream.linear.gather [hbm4b:s5+s3], $0x80, $0x38;
	[tilespmem:$0x1B980] =	vst v63  }
0x20: {  	s1 =	rddreg [dreg:$0x5]  }
0x21: {  	[tilespmem:s19], [sflag:$0x2] =	stream.linear.gather [hbm4b:s1+s3], $0x80, $0x38;
	[tilespmem:$0x1B980] =	vst v63  }
0x22: {  	_ =	swait.ge [sflag:s20], $0x80  }
0x23: {  	[sflag:s20] =	ssyncset.done $0x0  }
0x24: {  	[sflag:s20] =	ssyncadd.s32 $0xFFFFFF80  }
0x25: {  	[tilespmem:s22], [sflag:$0x3] =	stream.indirect.gather [spmem:s2], $0x80, s18, s21, $0xb8;
	[tilespmem:$0x1B980] =	vst v63  }
0x26: {  	_ =	swait.ge [sflag:s23], $0x4000  }
0x27: {  	[sflag:s23] =	ssyncset.done $0x0  }
0x28: {  	[sflag:s23] =	ssyncadd.s32 $0xFFFFC000  }
0x29: {  	[hbm4b:s6+s3] =	stream.linear.scatter [tilespmem:s22], [sflag:$0x5], $0x4000, $0x38;
	[tilespmem:$0x1B980] =	vst v63  }
0x2a: {  	_ = 	snop  }
0x2b: {  	[tilespmem:s18], [sflag:$0x1] =	stream.linear.gather [hbm4b:s8+s3], $0x80, $0x38;
	[tilespmem:$0x1B980] =	vst v63  }
0x2c: {  	_ =	swait.ge [sflag:s24], $0x80  }
0x2d: {  	[sflag:s24] =	ssyncset.done $0x0  }
0x2e: {  	[sflag:s24] =	ssyncadd.s32 $0xFFFFFF80  }
0x2f: {  	[tilespmem:s25], [sflag:$0x4] =	stream.indirect.gather [spmem:s2], $0x80, s19, s21, $0xb8;
	[tilespmem:$0x1B980] =	vst v63  }
0x30: {  	_ =	swait.ge [sflag:s26], $0x4000  }
0x31: {  	[sflag:s26] =	ssyncset.done $0x0  }
0x32: {  	[sflag:s26] =	ssyncadd.s32 $0xFFFFC000  }
0x33: {  	[hbm4b:s9+s3] =	stream.linear.scatter [tilespmem:s25], [sflag:$0x6], $0x4000, $0x38;
	[tilespmem:$0x1B980] =	vst v63  }
0x34: {  	_ = 	snop  }
0x35: {  	[tilespmem:s19], [sflag:$0x2] =	stream.linear.gather [hbm4b:s10+s3], $0x80, $0x38;
	[tilespmem:$0x1B980] =	vst v63  }
0x36: {  	_ =	swait.ge [sflag:s20], $0x80  }
0x37: {  	[sflag:s20] =	ssyncset.done $0x0  }
0x38: {  	[sflag:s20] =	ssyncadd.s32 $0xFFFFFF80  }
0x39: {  	_ =	swait.ge [sflag:s28], $0x4000  }
0x3a: {  	[sflag:s28] =	ssyncset.done $0x0  }
0x3b: {  	[sflag:s28] =	ssyncadd.s32 $0xFFFFC000  }
0x3c: {  	[tilespmem:s22], [sflag:$0x3] =	stream.indirect.gather [spmem:s2], $0x80, s18, s21, $0xb8;
	[tilespmem:$0x1B980] =	vst v63  }
0x3d: {  	_ =	swait.ge [sflag:s23], $0x4000  }
0x3e: {  	[sflag:s23] =	ssyncset.done $0x0  }
0x3f: {  	[sflag:s23] =	ssyncadd.s32 $0xFFFFC000  }
0x40: {  	[hbm4b:s15+s3] =	stream.linear.scatter [tilespmem:s22], [sflag:$0x5], $0x4000, $0x38;
	[tilespmem:$0x1B980] =	vst v63  }
0x41: {  	s4 =	sadd.s32 $0x0, s14  }
0x42: {  	[tilespmem:s18], [sflag:$0x1] =	stream.linear.gather [hbm4b:s4+s3], $0x80, $0x38;
	[tilespmem:$0x1B980] =	vst v63  }
0x43: {  	_ =	swait.ge [sflag:s24], $0x80  }
0x44: {  	[sflag:s24] =	ssyncset.done $0x0  }
0x45: {  	[sflag:s24] =	ssyncadd.s32 $0xFFFFFF80  }
0x46: {  	_ =	swait.ge [sflag:s29], $0x4000  }
0x47: {  	[sflag:s29] =	ssyncset.done $0x0  }
0x48: {  	[sflag:s29] =	ssyncadd.s32 $0xFFFFC000  }
0x49: {  	[tilespmem:s25], [sflag:$0x4] =	stream.indirect.gather [spmem:s2], $0x80, s19, s21, $0xb8;
	[tilespmem:$0x1B980] =	vst v63  }
0x4a: {  	_ =	swait.ge [sflag:s26], $0x4000  }
0x4b: {  	[sflag:s26] =	ssyncset.done $0x0  }
0x4c: {  	[sflag:s26] =	ssyncadd.s32 $0xFFFFC000  }
0x4d: {  	[hbm4b:s16+s3] =	stream.linear.scatter [tilespmem:s25], [sflag:$0x6], $0x4000, $0x38;
	[tilespmem:$0x1B980] =	vst v63  }
0x4e: {  	s5 =	sadd.s32 $0x0, s13  }
0x4f: {  	[tilespmem:s19], [sflag:$0x2] =	stream.linear.gather [hbm4b:s5+s3], $0x80, $0x38;
	[tilespmem:$0x1B980] =	vst v63  }
0x50: {  	_ =	swait.ge [sflag:s20], $0x80  }
0x51: {  	[sflag:s20] =	ssyncset.done $0x0  }
0x52: {  	[sflag:s20] =	ssyncadd.s32 $0xFFFFFF80  }
0x53: {  	_ =	swait.ge [sflag:s28], $0x4000  }
0x54: {  	s31 =	simm.s32 $0x20;
	[sflag:s28] =	ssyncset.done $0x0  }
0x55: {  	s0 =	sadd.s32 $0x1000, s16;
	s1 =	sadd.s32 $0x1000, s15;
	[sflag:s28] =	ssyncadd.s32 $0xFFFFC000  }
.LBB2_2:
0x56: {  	[tilespmem:s22], [sflag:$0x3] =	stream.indirect.gather [spmem:s2], $0x80, s18, s21, $0xb8;
	[tilespmem:$0x1B980] =	vst v63  }
0x57: {  	s4 =	smov.u32 s31  }
0x58: {  	p1 =	sne.s32 s31, $0x220;
	s31 =	sadd.s32 $0x20, s31;
	_ =	swait.ge [sflag:s23], $0x4000  }
0x59: {  	[sflag:s23] =	ssyncset.done $0x0  }
0x5a: {  	[sflag:s23] =	ssyncadd.s32 $0xFFFFC000  }
0x5b: {  	[hbm4b:s1+s3] =	stream.linear.scatter [tilespmem:s22], [sflag:$0x5], $0x4000, $0x38;
	[tilespmem:$0x1B980] =	vst v63  }
0x5c: {  	s5 =	sadd.s32 s4, s14  }
0x5d: {  	[tilespmem:s18], [sflag:$0x1] =	stream.linear.gather [hbm4b:s5+s3], $0x80, $0x38;
	[tilespmem:$0x1B980] =	vst v63  }
0x5e: {  	_ =	swait.ge [sflag:s24], $0x80  }
0x5f: {  	[sflag:s24] =	ssyncset.done $0x0  }
0x60: {  	[sflag:s24] =	ssyncadd.s32 $0xFFFFFF80  }
0x61: {  	_ =	swait.ge [sflag:s29], $0x4000  }
0x62: {  	[sflag:s29] =	ssyncset.done $0x0  }
0x63: {  	[sflag:s29] =	ssyncadd.s32 $0xFFFFC000  }
0x64: {  	[tilespmem:s25], [sflag:$0x4] =	stream.indirect.gather [spmem:s2], $0x80, s19, s21, $0xb8;
	[tilespmem:$0x1B980] =	vst v63  }
0x65: {  	_ =	swait.ge [sflag:s26], $0x4000  }
0x66: {  	[sflag:s26] =	ssyncset.done $0x0  }
0x67: {  	[sflag:s26] =	ssyncadd.s32 $0xFFFFC000  }
0x68: {  	[hbm4b:s0+s3] =	stream.linear.scatter [tilespmem:s25], [sflag:$0x6], $0x4000, $0x38;
	[tilespmem:$0x1B980] =	vst v63  }
0x69: {  	s4 =	sadd.s32 s4, s13  }
0x6a: {  	[tilespmem:s19], [sflag:$0x2] =	stream.linear.gather [hbm4b:s4+s3], $0x80, $0x38;
	[tilespmem:$0x1B980] =	vst v63  }
0x6b: {  	_ =	swait.ge [sflag:s20], $0x80  }
.Ltmp0:
0x6c: {  	[sflag:s20] =	ssyncset.done $0x0;
	(pc) =	sbr.rel @p1 .LBB2_2-.Ltmp0, $4  }
0x6d: {  	[sflag:s20] =	ssyncadd.s32 $0xFFFFFF80  }
0x6e: {  	_ =	swait.ge [sflag:s28], $0x4000  }
0x6f: {  	[sflag:s28] =	ssyncset.done $0x0  }
0x70: {  	s1 =	sadd.s32 $0x1000, s1;
	s0 =	sadd.s32 $0x1000, s0;
	[sflag:s28] =	ssyncadd.s32 $0xFFFFC000  }
0x71: {  	[tilespmem:s22], [sflag:$0x3] =	stream.indirect.gather [spmem:s2], $0x80, s18, s21, $0xb8;
	[tilespmem:$0x1B980] =	vst v63  }
0x72: {  	_ =	swait.ge [sflag:s23], $0x4000  }
0x73: {  	[sflag:s23] =	ssyncset.done $0x0  }
0x74: {  	[sflag:s23] =	ssyncadd.s32 $0xFFFFC000  }
0x75: {  	[hbm4b:s11+s3] =	stream.linear.scatter [tilespmem:s22], [sflag:$0x5], $0x4000, $0x38;
	[tilespmem:$0x1B980] =	vst v63  }
0x76: {  	_ =	swait.ge [sflag:s24], $0x80  }
0x77: {  	[sflag:s24] =	ssyncset.done $0x0  }
0x78: {  	[sflag:s24] =	ssyncadd.s32 $0xFFFFFF80  }
0x79: {  	_ =	swait.ge [sflag:s29], $0x4000  }
0x7a: {  	[sflag:s29] =	ssyncset.done $0x0  }
0x7b: {  	[sflag:s29] =	ssyncadd.s32 $0xFFFFC000  }
0x7c: {  	[tilespmem:s25], [sflag:$0x4] =	stream.indirect.gather [spmem:s2], $0x80, s19, s21, $0xb8;
	[tilespmem:$0x1B980] =	vst v63  }
0x7d: {  	_ =	swait.ge [sflag:s26], $0x4000  }
0x7e: {  	[sflag:s26] =	ssyncset.done $0x0  }
0x7f: {  	s30 =	sadd.s32 $0x1, s30;
	[sflag:s26] =	ssyncadd.s32 $0xFFFFC000  }
0x80: {  	[hbm4b:s12+s3] =	stream.linear.scatter [tilespmem:s25], [sflag:$0x6], $0x4000, $0x38;
	[tilespmem:$0x1B980] =	vst v63  }
0x81: {  	p1 =	sne.s32 s30, s7;
	_ =	swait.ge [sflag:s28], $0x4000  }
.Ltmp1:
0x82: {  	[sflag:s28] =	ssyncset.done $0x0;
	(pc) =	sbr.rel @p1 .LBB2_1-.Ltmp1, $4  }
0x83: {  	[sflag:s28] =	ssyncadd.s32 $0xFFFFC000  }
0x84: {  	_ =	swait.ge [sflag:s29], $0x4000  }
0x85: {  	[sflag:s29] =	ssyncset.done $0x0  }
0x86: {  	[sflag:s29] =	ssyncadd.s32 $0xFFFFC000  }
0x87: {  	_ =	sfence.sel $0x180000  }
0x88: {  	[bflag:$0x0] =	sbarrier.arrive $0xFFFF  }
0x89: {  	_ =	strace $0x9000004A  }
0x8a: {  	[bflag:$0x2] =	sbarrier.arrive $0xFFFF  }
0x8b: {  	s0 =	rddreg [dreg:$0x3]  }
0x8c: {  	s0 =	sadd.s32 @!p0 $0x100000, s0  }
0x8d: {  	[sflag:s0] =	ssyncadd.tile.s32 @!p0 $0x1;
	_ =	shalt  }
.Lfunc_end2:
_tile_overlayer_lowered:
.L_overlay_start_2:
0x8e: {  	(tag) =	ssettag $0x2  }
0x8f: {  	s0 =	rddreg [dreg:$0x0];
	s2 =	stileid.u32  }
0x90: {  	s1 =	rddreg [dreg:$0x1];
	p0 =	sne.s32 s2, $0x0  }
0x91: {  	s3 =	rddreg [dreg:$0x2];
	[bflag:$0x3] =	sbarrier.arrive $0xFFFF;
	s2 =	simm.s32 @!p0 $0x1C07  }
0x92: {  	[timem:s3], [sflag:s2] =	dma.local @!p0 [hbm:s0], s1  }
0x93: {  	s0 =	simm.s32 @!p0 $0x7  }
0x94: {  	_ =	swait.ge @!p0 [sflag:s0], s1  }
0x95: {  	s1 =	ssub.s32 @!p0 $0x0, s1;
	[sflag:s0] =	ssyncset.done @!p0 $0x0  }
0x96: {  	[sflag:s0] =	ssyncadd.s32 @!p0 s1  }
0x97: {  	[bflag:$0x3] =	sbarrier.arrive $0xFFFF  }
0x98: {  	_ =	shalt  }

// kernel: kernel.19.cloned.1.call-start
scs
__scs_entry_jumppad:
0x0: {  	(pc) =	sbr.rel $0x88, $3  }
0x1: {  	(tag) =	ssettag $0x0;
	lr =	simm.s32 $0x1  }
0x2: {  	[smem:$0x3F9D] =	sst lr;
	_ =	strace $0xD0000000  }
0x3: {  	_ = 	snop  }
0x4: {  	_ = 	snop  }
0x5: {  	_ = 	snop  }
0x6: {  	_ = 	snop  }
0x7: {  	_ = 	snop  }
__scs_overlays_trampoline_lowered:
0x8: {  	[smem:$0x3FAC] =	sst s0  }
0x9: {  	[smem:$0x3FAD] =	sst s1  }
0xa: {  	[smem:$0x3FAE] =	sst s2  }
0xb: {  	[smem:$0x3FAF] =	sst s3  }
0xc: {  	[smem:$0x3FB0] =	sst s4  }
0xd: {  	[smem:$0x3FB1] =	sst s5  }
0xe: {  	[smem:$0x3FB2] =	sst s6  }
0xf: {  	[smem:$0x3FB3] =	sst s7  }
0x10: {  	[smem:$0x3FB4] =	sst s8  }
0x11: {  	[smem:$0x3FB5] =	sst s9;
	s0 =	simm.s32 @!p0 $0x0  }
0x12: {  	s1 =	sld [smem:$0x3F9B];
	s0 =	simm.s32 @p0 $0x1  }
0x13: {  	[smem:$0x3FB6] =	sst s0;
	s0 =	simm.s32 @!p1 $0x0  }
0x14: {  	s2 =	sld [smem:$0x3F9A];
	s0 =	simm.s32 @p1 $0x1  }
0x15: {  	[smem:$0x3FB7] =	sst s0;
	s0 =	simm.s32 @!p2 $0x0  }
0x16: {  	s3 =	sld [smem:$0x3FDB];
	s0 =	simm.s32 @p2 $0x1  }
0x17: {  	s4 =	simm.s32 $0x1BF5;
	[smem:$0x3FB9] =	sst s0  }
0x18: {  	s0 =	sld [smem:$0x3F9C];
	_ =	swait.ge [sflag:s4], $0x0  }
0x19: {  	s7 =	sld [smem:$0x3F9D]  }
0x1a: {  	s8 =	sadd.s32 $0xFFFFE003, lr  }
0x1b: {  	s9 =	sadd.s32 $0xFFFFFEF7, lr;
	s5 =	simm.s32 $0xFFFFFFFF;
	p2 =	slt.u32 s8, $0xFFFFF086  }
0x1c: {  	p1 =	slt.u32 s9, $0xF7A;
	s5 =	simm.s32 @!p2 $0x0  }
0x1d: {  	s5 =	simm.s32 @p1 $0x1;
	p0 =	seq.s32 s7, s2  }
0x1e: {  	s7 =	smul.u32 @!p0 $0xF7A, s2;
	p2 =	seq.s32 @!p0 s5, $0x0  }
0x1f: {  	s9 =	smul.u32 $0xF7A, s1;
	s8 =	simm.s32 @!p0 $0x1BF5;
	p2 =	por !p2, p0  }
0x20: {  	[sflag:s8] =	ssyncset.s32 @!p0 $0xFFFFF086;
	s6 =	sadd.s32 @!p0 s3, s7;
	s7 =	simm.s32 @!p0 $0x108  }
0x21: {  	s3 =	sadd.s32 s3, s9;
	s6 =	sadd.s32 @!p0 $0x88, s6;
	s7 =	simm.s32 @p2 $0x1082  }
0x22: {  	[simem:s7], [sflag:s8] =	dma.local @!p0 [hbm:s6], $0xF7A  }
0x23: {  	s9 =	sor.u32 $0xD0000000, s2;
	s6 =	simm.s32 $0x108;
	_ =	swait.ge @!p0 [sflag:s8], $0x0  }
0x24: {  	s3 =	sadd.s32 $0x88, s3;
	s6 =	simm.s32 @!p1 $0x1082;
	[sflag:s4] =	ssyncset.s32 $0xFFFFF086  }
0x25: {  	[simem:s6], [sflag:s4] =	dma.local [hbm:s3], $0xF7A  }
0x26: {  	[smem:$0x3F9D] =	sst s1;
	(tag) =	ssettag s2;
	_ =	strace s9  }
0x27: {  	s1 =	sld [smem:$0x3FAD]  }
0x28: {  	s2 =	sld [smem:$0x3FAE]  }
0x29: {  	s4 =	sld [smem:$0x3FB0]  }
0x2a: {  	p0 =	seq.s32 s5, $0x0;
	s5 =	sld [smem:$0x3FB1]  }
0x2b: {  	s6 =	sld [smem:$0x3FB2]  }
0x2c: {  	s7 =	sld [smem:$0x3FB3]  }
0x2d: {  	s3 =	simm.s32 $0x108;
	s8 =	sld [smem:$0x3FB4]  }
0x2e: {  	s3 =	simm.s32 @!p0 $0x1082;
	s9 =	sld [smem:$0x3FB5]  }
0x2f: {  	lr =	sadd.s32 s0, s3;
	s0 =	sld [smem:$0x3FAC]  }
0x30: {  	s3 =	sld [smem:$0x3FAF]  }
0x31: {  	[smem:$0x3FB8] =	sst s10  }
0x32: {  	s10 =	sld [smem:$0x3FB6];
	_ =	sdelay $0x3  }
0x33: {  	p0 =	seq.s32 s10, $0x1;
	s10 =	sld [smem:$0x3FB8];
	_ =	sdelay $0x3  }
0x34: {  	[smem:$0x3FB8] =	sst s10  }
0x35: {  	s10 =	sld [smem:$0x3FB7];
	_ =	sdelay $0x3  }
0x36: {  	p1 =	seq.s32 s10, $0x1;
	s10 =	sld [smem:$0x3FB8];
	_ =	sdelay $0x3  }
0x37: {  	[smem:$0x3FB8] =	sst s10  }
0x38: {  	s10 =	sld [smem:$0x3FB9]  }
0x39: {  	_ = 	snop;
	(pc) =	sbr.ind lr, $3  }
0x3a: {  	_ = 	snop  }
0x3b: {  	_ = 	snop  }
0x3c: {  	p2 =	seq.s32 s10, $0x1;
	s10 =	sld [smem:$0x3FB8]  }
0x3d: {  	_ =	shalt  }
0x3e: {  	_ =	shalt  }
0x3f: {  	_ =	shalt  }
0x40: {  	_ =	shalt  }
0x41: {  	_ =	shalt  }
0x42: {  	_ =	shalt  }
0x43: {  	_ =	shalt  }
0x44: {  	_ =	shalt  }
0x45: {  	_ =	shalt  }
0x46: {  	_ =	shalt  }
0x47: {  	_ =	shalt  }
0x48: {  	_ =	shalt  }
0x49: {  	_ =	shalt  }
0x4a: {  	_ =	shalt  }
0x4b: {  	_ =	shalt  }
0x4c: {  	_ =	shalt  }
0x4d: {  	_ =	shalt  }
0x4e: {  	_ =	shalt  }
0x4f: {  	_ =	shalt  }
0x50: {  	_ =	shalt  }
0x51: {  	_ =	shalt  }
0x52: {  	_ =	shalt  }
0x53: {  	_ =	shalt  }
0x54: {  	_ =	shalt  }
0x55: {  	_ =	shalt  }
0x56: {  	_ =	shalt  }
0x57: {  	_ =	shalt  }
0x58: {  	_ =	shalt  }
0x59: {  	_ =	shalt  }
0x5a: {  	_ =	shalt  }
0x5b: {  	_ =	shalt  }
0x5c: {  	_ =	shalt  }
0x5d: {  	_ =	shalt  }
0x5e: {  	_ =	shalt  }
0x5f: {  	_ =	shalt  }
0x60: {  	_ =	shalt  }
0x61: {  	_ =	shalt  }
0x62: {  	_ =	shalt  }
0x63: {  	_ =	shalt  }
0x64: {  	_ =	shalt  }
0x65: {  	_ =	shalt  }
0x66: {  	_ =	shalt  }
0x67: {  	_ =	shalt  }
0x68: {  	_ =	shalt  }
0x69: {  	_ =	shalt  }
0x6a: {  	_ =	shalt  }
0x6b: {  	_ =	shalt  }
0x6c: {  	_ =	shalt  }
0x6d: {  	_ =	shalt  }
0x6e: {  	_ =	shalt  }
0x6f: {  	_ =	shalt  }
0x70: {  	_ =	shalt  }
0x71: {  	_ =	shalt  }
0x72: {  	_ =	shalt  }
0x73: {  	_ =	shalt  }
0x74: {  	_ =	shalt  }
0x75: {  	_ =	shalt  }
0x76: {  	_ =	shalt  }
0x77: {  	_ =	shalt  }
0x78: {  	_ =	shalt  }
0x79: {  	_ =	shalt  }
0x7a: {  	_ =	shalt  }
0x7b: {  	_ =	shalt  }
0x7c: {  	_ =	shalt  }
0x7d: {  	_ =	shalt  }
0x7e: {  	_ =	shalt  }
0x7f: {  	_ =	shalt  }
0x80: {  	_ =	shalt  }
0x81: {  	_ =	shalt  }
0x82: {  	_ =	shalt  }
0x83: {  	_ =	shalt  }
0x84: {  	_ =	shalt  }
0x85: {  	_ =	shalt  }
0x86: {  	_ =	shalt  }
0x87: {  	_ =	shalt  }
.Lfunc_end0:
.L_simem_size_0:
called_computation.3_lowered:
.L_overlay_start_0:
0x88: {  	s2 =	sld [smem:$0x3FD9]  }
0x89: {  	s3 =	sld [smem:$0x3FFE];
	_ =	sdelay $0x1  }
0x8a: {  	s1 =	srdreg.scid  }
0x8b: {  	s0 =	sand.u32 $0x1, s1  }
0x8c: {  	s17 =	sshll.u32 s0, $0xA;
	s2 =	sadd.s32 s3, s2  }
0x8d: {  	s2 =	sadd.s32 s2, s17  }
0x8e: {  	[smem:$0x3FC4] =	sst s2  }
0x8f: {  	_ = 	snop  }
0x90: {  	s2 =	sld [smem:$0x3FC9];
	(tm) =	ssettm $0x1  }
0x91: {  	s18 =	sld [smem:$0x3FFB];
	_ =	sdelay $0x3  }
0x92: {  	_ =	strace s18  }
0x93: {  	s3 =	sld [smem:$0x3FFC];
	_ =	sdelay $0x3  }
0x94: {  	_ =	strace s3  }
0x95: {  	s3 =	sld [smem:$0x3FFD];
	_ =	sdelay $0x3  }
0x96: {  	_ =	strace s3  }
0x97: {  	_ =	strace $0x8FFFFFFF  }
0x98: {  	s19 =	sld [smem:$0x3FDB];
	_ =	sdelay $0x1  }
0x99: {  	s4 =	simm.s32 $_scs_section_size  }
0x9a: {  	s5 =	simm.s32 $_size__tile_overlayer_lowered;
	s6 =	simm.s32 $_tile_overlayer_lowered  }
0x9b: {  	s22 =	simm.s32 $0x1BFF;
	s21 =	sshll.u32 s6, $0x1;
	s3 =	sadd.s32 s4, s19  }
0x9c: {  	s7 =	simm.s32 $0x0;
	s20 =	sshll.u32 s5, $0x1;
	s5 =	sadd.s32 s21, s3  }
0x9d: {  	[timem:s7], [sflag:s22] =	dma.local [hbm:s5], s20  }
0x9e: {  	_ =	swait.ge [sflag:s22], s20  }
0x9f: {  	s4 =	ssub.s32 $0x0, s20;
	[sflag:s22] =	ssyncset.done $0x0  }
0xa0: {  	[sflag:s22] =	ssyncadd.s32 s4;
	_ =	sdelay $0x1  }
0xa1: {  	s23 =	simm.s32 $0x1B8B  }
0xa2: {  	_ =	swait.ge [sflag:s23], $0x1  }
0xa3: {  	[sflag:s23] =	ssyncset.done $0x0  }
0xa4: {  	s25 =	simm.s32 $0x1B8E;
	s24 =	sld [smem:$0x3FFE];
	[sflag:s23] =	ssyncadd.s32 $0xFFFFFFFF  }
0xa5: {  	s26 =	simm.s32 $execute0_lowered;
	[smem:$0x3FD2] =	sst s25  }
0xa6: {  	s5 =	sshll.u32 s26, $0x1;
	_ =	strace $0x80000046;
	[dreg:$0x1] =	wrdreg $0xFFFFFFFF  }
0xa7: {  	s28 =	simm.s32 $_size_execute0_lowered;
	s3 =	sadd.s32 s3, s5;
	[dreg:$0x0] =	wrdreg $0x0  }
0xa8: {  	s5 =	sshll.u32 s28, $0x1;
	[dreg:$0x2] =	wrdreg s3  }
0xa9: {  	[dreg:$0x3] =	wrdreg s5  }
0xaa: {  	[dreg:$0x4] =	wrdreg $0xC0  }
0xab: {  	_ =	task [dreg:s7], $0x5FFFF  }
0xac: {  	[dreg:$0x1] =	wrdreg $0xFFFFFFFF  }
0xad: {  	[dreg:$0x0] =	wrdreg $0x60  }
0xae: {  	[dreg:$0x2] =	wrdreg s2  }
0xaf: {  	[dreg:$0x3] =	wrdreg s24  }
0xb0: {  	[dreg:$0x4] =	wrdreg $0x0  }
0xb1: {  	[dreg:$0x5] =	wrdreg $0xC  }
0xb2: {  	_ =	task.clear_ibuf [dreg:s7], $0x6FFFF;
	_ =	strace $0x90000046  }
0xb3: {  	s29 =	simm.s32 $0xC;
	_ =	strace $0x80000048  }
0xb4: {  	_ =	swait.ge [sflag:s29], $0x1  }
0xb5: {  	[sflag:s29] =	ssyncadd.s32 $0xFFFFFFFF  }
0xb6: {  	_ =	strace $0x90000048  }
0xb7: {  	_ =	sfence  }
0xb8: {  	s30 =	sld [smem:$0x0];
	_ =	sdelay $0x2  }
0xb9: {  	s31 =	sshll.u32 s1, $0xD;
	s1 =	sshrl.u32 s1, $0x2  }
0xba: {  	s3 =	sand.u32 $0x4000, s31;
	s1 =	sadd.s32 s1, s30  }
0xbb: {  	s0 =	sor.u32 s3, s0;
	s1 =	sshll.u32 s1, $0x11  }
0xbc: {  	s0 =	sor.u32 s1, s0  }
0xbd: {  	s0 =	sadd.s32 $0x8F2B, s0  }
0xbe: {  	[sflag:s0] =	ssyncadd.remote.s32 $0x1  }
0xbf: {  	_ =	sfence.sel $0xFFFF  }
0xc0: {  	[dreg:$0x0] =	wrdreg $0xFFFFFFFF;
	(pc) =	sbr.abs _section_cstart, $3  }
0xc1: {  	[dreg:$0x1] =	wrdreg $0xFFFFFFFF  }
0xc2: {  	_ =	task.clear_ibuf [dreg:s7], $0x2FFFF;
	_ =	strace $0x9FFFFFFF  }
0xc3: {  	(tm) =	ssettm $0x7FFFFFFF  }
tec
execute0_lowered:
.L_overlay_start_1:
0x0: {  	(tag) =	ssettag $0x1  }
0x1: {  	s0 =	rddreg [dreg:$0x1]  }
0x2: {  	s1 =	srdreg.scid;
	s15 =	stileid.u32  }
0x3: {  	s2 =	rddreg [dreg:$0x2];
	s3 =	simm.s32 $0x0;
	s19 =	simm.s32 $0x13900  }
0x4: {  	s20 =	simm.s32 $0x1;
	s21 =	simm.s32 $0x80;
	s22 =	simm.s32 $0x13980  }
0x5: {  	s23 =	simm.s32 $0x3;
	s28 =	simm.s32 $0x5;
	s29 =	simm.s32 $0x6  }
0x6: {  	s30 =	simm.s32 $0x0;
	s1 =	sand.u32 $0x1, s1;
	s11 =	smul.u32 $0x2800, s15  }
0x7: {  	s4 =	sshll.u32 s15, $0x1;
	[smem:$0x7FF] =	sst s3;
	s16 =	smul.u32 $0x140000, s15  }
0x8: {  	s14 =	sadd.s32 $0xC00, s0;
	s0 =	sadd.s32 $0x14C00, s0;
	s12 =	smul.u32 $0x1400, s1  }
0x9: {  	s4 =	sor.u32 s1, s4;
	s6 =	ssub.s32 $0x2, s1;
	s1 =	smul.u32 $0xA0000, s1  }
0xa: {  	p0 =	sne.s32 s15, $0x0;
	s5 =	smul.u32 $0x1400, s4;
	s7 =	sshrl.u32 s6, $0x1  }
0xb: {  	_ =	strace $0x80000047;
	s8 =	smul.u32 $0xA0000, s4;
	s7 =	ssub.s32 s6, s7  }
0xc: {  	s13 =	sadd.s32 s12, s11;
	s1 =	sadd.s32 s1, s16;
	s5 =	sshrl.u32 s5, $0x3  }
0xd: {  	s25 =	sshrl.u32 s8, $0x3;
	s7 =	smax.u32 s7, $0x1;
	s17 =	sadd.s32 $0x78280, s13  }
0xe: {  	s18 =	sadd.s32 $0x78200, s13;
	s16 =	sor.u32 $0x8000, s1;
	s1 =	sor.u32 $0xC000, s1  }
0xf: {  	s10 =	sadd.s32 s14, s5;
	s6 =	sadd.s32 s0, s25;
	s17 =	sshrl.u32 s17, $0x3  }
0x10: {  	s31 =	sshrl.u32 s18, $0x3;
	s16 =	sshrl.u32 s16, $0x3;
	s1 =	sshrl.u32 s1, $0x3  }
0x11: {  	s18 =	simm.s32 $0x13880;
	s25 =	simm.s32 $0x17980;
	s24 =	sadd.s32 $0xF000, s10  }
0x12: {  	s26 =	sadd.s32 $0xF010, s10;
	s8 =	sadd.s32 $0xF020, s10;
	s9 =	sadd.s32 $0x800, s6  }
0x13: {  	s10 =	sadd.s32 $0xF030, s10;
	s11 =	sadd.s32 $0x13000, s6;
	s12 =	sadd.s32 $0x13800, s6  }
0x14: {  	s13 =	sadd.s32 s17, s14;
	s14 =	sadd.s32 s31, s14;
	s15 =	sadd.s32 s16, s0  }
0x15: {  	s16 =	sadd.s32 s1, s0;
	s17 =	sshrl.u32 @!p0 s2, $0x3;
	[dreg:$0x4] =	wrdreg s24  }
0x16: {  	[dreg:$0x5] =	wrdreg s26;
	s24 =	simm.s32 $0x2;
	s26 =	simm.s32 $0x4  }
.LBB2_1:
0x17: {  	s0 =	simm.s32 @!p0 $0x1C07;
	s1 =	rddreg [dreg:$0x0]  }
0x18: {  	[spmem:s17], [sflag:s0] =	dma.local @!p0 [hbm:s1], $0x27100  }
0x19: {  	s0 =	simm.s32 @!p0 $0x7  }
0x1a: {  	_ =	swait.ge @!p0 [sflag:s0], $0x27100  }
0x1b: {  	[sflag:s0] =	ssyncset.done @!p0 $0x0  }
0x1c: {  	[sflag:s0] =	ssyncadd.s32 @!p0 $0xFFFD8F00  }
0x1d: {  	[bflag:$0x0] =	sbarrier.arrive $0xFFFF  }
0x1e: {  	s5 =	rddreg [dreg:$0x4]  }
0x1f: {  	[tilespmem:s18], [sflag:$0x1] =	stream.linear.gather [hbm4b:s5+s3], $0x80, $0x38;
	[tilespmem:$0x1B980] =	vst v63  }
0x20: {  	s1 =	rddreg [dreg:$0x5]  }
0x21: {  	[tilespmem:s19], [sflag:$0x2] =	stream.linear.gather [hbm4b:s1+s3], $0x80, $0x38;
	[tilespmem:$0x1B980] =	vst v63  }
0x22: {  	_ =	swait.ge [sflag:s20], $0x80  }
0x23: {  	[sflag:s20] =	ssyncset.done $0x0  }
0x24: {  	[sflag:s20] =	ssyncadd.s32 $0xFFFFFF80  }
0x25: {  	[tilespmem:s22], [sflag:$0x3] =	stream.indirect.gather [spmem:s2], $0x80, s18, s21, $0xb8;
	[tilespmem:$0x1B980] =	vst v63  }
0x26: {  	_ =	swait.ge [sflag:s23], $0x4000  }
0x27: {  	[sflag:s23] =	ssyncset.done $0x0  }
0x28: {  	[sflag:s23] =	ssyncadd.s32 $0xFFFFC000  }
0x29: {  	[hbm4b:s6+s3] =	stream.linear.scatter [tilespmem:s22], [sflag:$0x5], $0x4000, $0x38;
	[tilespmem:$0x1B980] =	vst v63  }
0x2a: {  	_ = 	snop  }
0x2b: {  	[tilespmem:s18], [sflag:$0x1] =	stream.linear.gather [hbm4b:s8+s3], $0x80, $0x38;
	[tilespmem:$0x1B980] =	vst v63  }
0x2c: {  	_ =	swait.ge [sflag:s24], $0x80  }
0x2d: {  	[sflag:s24] =	ssyncset.done $0x0  }
0x2e: {  	[sflag:s24] =	ssyncadd.s32 $0xFFFFFF80  }
0x2f: {  	[tilespmem:s25], [sflag:$0x4] =	stream.indirect.gather [spmem:s2], $0x80, s19, s21, $0xb8;
	[tilespmem:$0x1B980] =	vst v63  }
0x30: {  	_ =	swait.ge [sflag:s26], $0x4000  }
0x31: {  	[sflag:s26] =	ssyncset.done $0x0  }
0x32: {  	[sflag:s26] =	ssyncadd.s32 $0xFFFFC000  }
0x33: {  	[hbm4b:s9+s3] =	stream.linear.scatter [tilespmem:s25], [sflag:$0x6], $0x4000, $0x38;
	[tilespmem:$0x1B980] =	vst v63  }
0x34: {  	_ = 	snop  }
0x35: {  	[tilespmem:s19], [sflag:$0x2] =	stream.linear.gather [hbm4b:s10+s3], $0x80, $0x38;
	[tilespmem:$0x1B980] =	vst v63  }
0x36: {  	_ =	swait.ge [sflag:s20], $0x80  }
0x37: {  	[sflag:s20] =	ssyncset.done $0x0  }
0x38: {  	[sflag:s20] =	ssyncadd.s32 $0xFFFFFF80  }
0x39: {  	_ =	swait.ge [sflag:s28], $0x4000  }
0x3a: {  	[sflag:s28] =	ssyncset.done $0x0  }
0x3b: {  	[sflag:s28] =	ssyncadd.s32 $0xFFFFC000  }
0x3c: {  	[tilespmem:s22], [sflag:$0x3] =	stream.indirect.gather [spmem:s2], $0x80, s18, s21, $0xb8;
	[tilespmem:$0x1B980] =	vst v63  }
0x3d: {  	_ =	swait.ge [sflag:s23], $0x4000  }
0x3e: {  	[sflag:s23] =	ssyncset.done $0x0  }
0x3f: {  	[sflag:s23] =	ssyncadd.s32 $0xFFFFC000  }
0x40: {  	[hbm4b:s15+s3] =	stream.linear.scatter [tilespmem:s22], [sflag:$0x5], $0x4000, $0x38;
	[tilespmem:$0x1B980] =	vst v63  }
0x41: {  	s4 =	sadd.s32 $0x0, s14  }
0x42: {  	[tilespmem:s18], [sflag:$0x1] =	stream.linear.gather [hbm4b:s4+s3], $0x80, $0x38;
	[tilespmem:$0x1B980] =	vst v63  }
0x43: {  	_ =	swait.ge [sflag:s24], $0x80  }
0x44: {  	[sflag:s24] =	ssyncset.done $0x0  }
0x45: {  	[sflag:s24] =	ssyncadd.s32 $0xFFFFFF80  }
0x46: {  	_ =	swait.ge [sflag:s29], $0x4000  }
0x47: {  	[sflag:s29] =	ssyncset.done $0x0  }
0x48: {  	[sflag:s29] =	ssyncadd.s32 $0xFFFFC000  }
0x49: {  	[tilespmem:s25], [sflag:$0x4] =	stream.indirect.gather [spmem:s2], $0x80, s19, s21, $0xb8;
	[tilespmem:$0x1B980] =	vst v63  }
0x4a: {  	_ =	swait.ge [sflag:s26], $0x4000  }
0x4b: {  	[sflag:s26] =	ssyncset.done $0x0  }
0x4c: {  	[sflag:s26] =	ssyncadd.s32 $0xFFFFC000  }
0x4d: {  	[hbm4b:s16+s3] =	stream.linear.scatter [tilespmem:s25], [sflag:$0x6], $0x4000, $0x38;
	[tilespmem:$0x1B980] =	vst v63  }
0x4e: {  	s5 =	sadd.s32 $0x0, s13  }
0x4f: {  	[tilespmem:s19], [sflag:$0x2] =	stream.linear.gather [hbm4b:s5+s3], $0x80, $0x38;
	[tilespmem:$0x1B980] =	vst v63  }
0x50: {  	_ =	swait.ge [sflag:s20], $0x80  }
0x51: {  	[sflag:s20] =	ssyncset.done $0x0  }
0x52: {  	[sflag:s20] =	ssyncadd.s32 $0xFFFFFF80  }
0x53: {  	_ =	swait.ge [sflag:s28], $0x4000  }
0x54: {  	s31 =	simm.s32 $0x20;
	[sflag:s28] =	ssyncset.done $0x0  }
0x55: {  	s0 =	sadd.s32 $0x1000, s16;
	s1 =	sadd.s32 $0x1000, s15;
	[sflag:s28] =	ssyncadd.s32 $0xFFFFC000  }
.LBB2_2:
0x56: {  	[tilespmem:s22], [sflag:$0x3] =	stream.indirect.gather [spmem:s2], $0x80, s18, s21, $0xb8;
	[tilespmem:$0x1B980] =	vst v63  }
0x57: {  	s4 =	smov.u32 s31  }
0x58: {  	p1 =	sne.s32 s31, $0x220;
	s31 =	sadd.s32 $0x20, s31;
	_ =	swait.ge [sflag:s23], $0x4000  }
0x59: {  	[sflag:s23] =	ssyncset.done $0x0  }
0x5a: {  	[sflag:s23] =	ssyncadd.s32 $0xFFFFC000  }
0x5b: {  	[hbm4b:s1+s3] =	stream.linear.scatter [tilespmem:s22], [sflag:$0x5], $0x4000, $0x38;
	[tilespmem:$0x1B980] =	vst v63  }
0x5c: {  	s5 =	sadd.s32 s4, s14  }
0x5d: {  	[tilespmem:s18], [sflag:$0x1] =	stream.linear.gather [hbm4b:s5+s3], $0x80, $0x38;
	[tilespmem:$0x1B980] =	vst v63  }
0x5e: {  	_ =	swait.ge [sflag:s24], $0x80  }
0x5f: {  	[sflag:s24] =	ssyncset.done $0x0  }
0x60: {  	[sflag:s24] =	ssyncadd.s32 $0xFFFFFF80  }
0x61: {  	_ =	swait.ge [sflag:s29], $0x4000  }
0x62: {  	[sflag:s29] =	ssyncset.done $0x0  }
0x63: {  	[sflag:s29] =	ssyncadd.s32 $0xFFFFC000  }
0x64: {  	[tilespmem:s25], [sflag:$0x4] =	stream.indirect.gather [spmem:s2], $0x80, s19, s21, $0xb8;
	[tilespmem:$0x1B980] =	vst v63  }
0x65: {  	_ =	swait.ge [sflag:s26], $0x4000  }
0x66: {  	[sflag:s26] =	ssyncset.done $0x0  }
0x67: {  	[sflag:s26] =	ssyncadd.s32 $0xFFFFC000  }
0x68: {  	[hbm4b:s0+s3] =	stream.linear.scatter [tilespmem:s25], [sflag:$0x6], $0x4000, $0x38;
	[tilespmem:$0x1B980] =	vst v63  }
0x69: {  	s4 =	sadd.s32 s4, s13  }
0x6a: {  	[tilespmem:s19], [sflag:$0x2] =	stream.linear.gather [hbm4b:s4+s3], $0x80, $0x38;
	[tilespmem:$0x1B980] =	vst v63  }
0x6b: {  	_ =	swait.ge [sflag:s20], $0x80  }
.Ltmp0:
0x6c: {  	[sflag:s20] =	ssyncset.done $0x0;
	(pc) =	sbr.rel @p1 .LBB2_2-.Ltmp0, $4  }
0x6d: {  	[sflag:s20] =	ssyncadd.s32 $0xFFFFFF80  }
0x6e: {  	_ =	swait.ge [sflag:s28], $0x4000  }
0x6f: {  	[sflag:s28] =	ssyncset.done $0x0  }
0x70: {  	s1 =	sadd.s32 $0x1000, s1;
	s0 =	sadd.s32 $0x1000, s0;
	[sflag:s28] =	ssyncadd.s32 $0xFFFFC000  }
0x71: {  	[tilespmem:s22], [sflag:$0x3] =	stream.indirect.gather [spmem:s2], $0x80, s18, s21, $0xb8;
	[tilespmem:$0x1B980] =	vst v63  }
0x72: {  	_ =	swait.ge [sflag:s23], $0x4000  }
0x73: {  	[sflag:s23] =	ssyncset.done $0x0  }
0x74: {  	[sflag:s23] =	ssyncadd.s32 $0xFFFFC000  }
0x75: {  	[hbm4b:s11+s3] =	stream.linear.scatter [tilespmem:s22], [sflag:$0x5], $0x4000, $0x38;
	[tilespmem:$0x1B980] =	vst v63  }
0x76: {  	_ =	swait.ge [sflag:s24], $0x80  }
0x77: {  	[sflag:s24] =	ssyncset.done $0x0  }
0x78: {  	[sflag:s24] =	ssyncadd.s32 $0xFFFFFF80  }
0x79: {  	_ =	swait.ge [sflag:s29], $0x4000  }
0x7a: {  	[sflag:s29] =	ssyncset.done $0x0  }
0x7b: {  	[sflag:s29] =	ssyncadd.s32 $0xFFFFC000  }
0x7c: {  	[tilespmem:s25], [sflag:$0x4] =	stream.indirect.gather [spmem:s2], $0x80, s19, s21, $0xb8;
	[tilespmem:$0x1B980] =	vst v63  }
0x7d: {  	_ =	swait.ge [sflag:s26], $0x4000  }
0x7e: {  	[sflag:s26] =	ssyncset.done $0x0  }
0x7f: {  	s30 =	sadd.s32 $0x1, s30;
	[sflag:s26] =	ssyncadd.s32 $0xFFFFC000  }
0x80: {  	[hbm4b:s12+s3] =	stream.linear.scatter [tilespmem:s25], [sflag:$0x6], $0x4000, $0x38;
	[tilespmem:$0x1B980] =	vst v63  }
0x81: {  	p1 =	sne.s32 s30, s7;
	_ =	swait.ge [sflag:s28], $0x4000  }
.Ltmp1:
0x82: {  	[sflag:s28] =	ssyncset.done $0x0;
	(pc) =	sbr.rel @p1 .LBB2_1-.Ltmp1, $4  }
0x83: {  	[sflag:s28] =	ssyncadd.s32 $0xFFFFC000  }
0x84: {  	_ =	swait.ge [sflag:s29], $0x4000  }
0x85: {  	[sflag:s29] =	ssyncset.done $0x0  }
0x86: {  	[sflag:s29] =	ssyncadd.s32 $0xFFFFC000  }
0x87: {  	_ =	sfence.sel $0x180000  }
0x88: {  	[bflag:$0x0] =	sbarrier.arrive $0xFFFF  }
0x89: {  	_ =	strace $0x90000047  }
0x8a: {  	[bflag:$0x2] =	sbarrier.arrive $0xFFFF  }
0x8b: {  	s0 =	rddreg [dreg:$0x3]  }
0x8c: {  	s0 =	sadd.s32 @!p0 $0x100000, s0  }
0x8d: {  	[sflag:s0] =	ssyncadd.tile.s32 @!p0 $0x1;
	_ =	shalt  }
.Lfunc_end2:
_tile_overlayer_lowered:
.L_overlay_start_2:
0x8e: {  	(tag) =	ssettag $0x2  }
0x8f: {  	s0 =	rddreg [dreg:$0x0];
	s2 =	stileid.u32  }
0x90: {  	s1 =	rddreg [dreg:$0x1];
	p0 =	sne.s32 s2, $0x0  }
0x91: {  	s3 =	rddreg [dreg:$0x2];
	[bflag:$0x3] =	sbarrier.arrive $0xFFFF;
	s2 =	simm.s32 @!p0 $0x1C07  }
0x92: {  	[timem:s3], [sflag:s2] =	dma.local @!p0 [hbm:s0], s1  }
0x93: {  	s0 =	simm.s32 @!p0 $0x7  }
0x94: {  	_ =	swait.ge @!p0 [sflag:s0], s1  }
0x95: {  	s1 =	ssub.s32 @!p0 $0x0, s1;
	[sflag:s0] =	ssyncset.done @!p0 $0x0  }
0x96: {  	[sflag:s0] =	ssyncadd.s32 @!p0 s1  }
0x97: {  	[bflag:$0x3] =	sbarrier.arrive $0xFFFF  }
0x98: {  	_ =	shalt  }

</sc_bundles>
